<compile_context>
chip_gen: v7x
topology: tpu7x:2x2x1
jax: 0.10.2.dev20260603
libtpu: 0.0.44.dev20260713+nightly
codegen_flags: <defaults>
</compile_context>

<pallas_src>
import functools

import numpy as np
import jax
import jax.numpy as jnp
from jax import lax
from jax.experimental import pallas as pl
from jax.experimental.pallas import tpu as pltpu
from jax.experimental.pallas import tpu_sc as plsc

_NUM_CORES = 2
_NUM_SUBCORES = 16
_NUM_WORKERS = _NUM_CORES * _NUM_SUBCORES

_LANES = 16
_C = 8
_NBUF = 4
_DEPTH = 2


def _positional_encoding(nb_words, nb_dimensions):
    X = np.arange(0, nb_words)
    Y = np.arange(0, nb_dimensions)
    Y, X = np.meshgrid(Y, X)
    TEMP = 10000
    temp1 = np.sin(X / np.power(TEMP, 2 * Y / nb_dimensions))
    temp2 = np.cos(X / np.power(TEMP, 2 * Y / nb_dimensions))
    Z = np.zeros((nb_words, nb_dimensions))
    Z[:, 0::2] = temp1[:, 0::2]
    Z[:, 1::2] = temp2[:, 1::2]
    return jnp.asarray(Z, dtype=jnp.float32)


def kernel(X, table):
    nb_texts, nb_tokens = X.shape
    d = table.shape[1]
    pe = _positional_encoding(nb_tokens, d)

    pe = jnp.concatenate([pe, pe[:_C]], axis=0)

    B = nb_texts * nb_tokens
    idx = X.reshape(B).astype(jnp.int32)
    b_per_w = B // _NUM_WORKERS
    nchunks = b_per_w // _C
    groups = d // _LANES

    mesh = plsc.VectorSubcoreMesh(core_axis_name="c", subcore_axis_name="s")

    @functools.partial(
        pl.kernel,
        out_type=jax.ShapeDtypeStruct((B, d), jnp.float32),
        mesh=mesh,
        scratch_types=[
            pltpu.VMEM((b_per_w,), jnp.int32),
            pltpu.VMEM((nb_tokens + _C, d), jnp.float32),
            [pltpu.VMEM((_C, d), jnp.float32)] * _NBUF,
            [pltpu.SemaphoreType.DMA] * _NBUF,
            [pltpu.SemaphoreType.DMA] * _NBUF,
        ],
    )
    def emb(table_h, idx_h, pe_h, out_h, idx_v, pe_v, bufs, in_sems, out_sems):
        wid = lax.axis_index("s") * _NUM_CORES + lax.axis_index("c")
        base = wid * b_per_w
        pltpu.sync_copy(idx_h.at[pl.ds(base, b_per_w)], idx_v)
        pltpu.sync_copy(pe_h, pe_v)

        def start_gather(c, b):
            pltpu.async_copy(
                table_h.at[idx_v.at[pl.ds(c * _C, _C)]], bufs[b], in_sems[b]
            )

        def wait_gather(b):
            pltpu.make_async_copy(
                table_h.at[idx_v.at[pl.ds(0, _C)]], bufs[b], in_sems[b]
            ).wait()

        def start_out(c, b):
            pltpu.async_copy(
                bufs[b], out_h.at[pl.ds(base + c * _C, _C)], out_sems[b]
            )

        def wait_out(b):
            pltpu.make_async_copy(
                bufs[b], out_h.at[pl.ds(base, _C)], out_sems[b]
            ).wait()

        def accumulate_pe(c, b):
            buf = bufs[b]
            pos0 = lax.rem(c * _C, nb_tokens)

            @plsc.parallel_loop(0, 8 * _C)
            def _(i):
                r = lax.shift_right_logical(i, 3)
                h = lax.bitwise_and(i, 7) * (groups // 8 * _LANES)
                pos = pos0 + r
                for g in range(groups // 8):
                    sl = pl.ds(h + g * _LANES, _LANES)
                    plsc.addupdate(buf.at[r, sl], pe_v[pos, sl])

        for k in range(_DEPTH):
            start_gather(k, k)

        @pl.loop(0, nchunks, step=_NBUF)
        def _(c):
            for j in range(_NBUF):
                k = c + j
                bn = (j + _DEPTH) % _NBUF

                @pl.when(k + _DEPTH < nchunks)
                def _():
                    @pl.when(k >= _NBUF - _DEPTH)
                    def _():
                        wait_out(bn)

                    start_gather(k + _DEPTH, bn)

                wait_gather(j)
                accumulate_pe(k, j)
                start_out(k, j)

        for b in range(_NBUF):
            wait_out(b)

    out = emb(table, idx, pe)
    return out.reshape(nb_texts, nb_tokens, d)

# --- scband reference (transcript-rebuilt; emitter-appended) ---
"""Pipeline reference for scband-embedding-472446402873 (READ-ONLY COPY).

The authoritative reference and input builder live on the scoring server;
editing this copy changes nothing except your own understanding.
"""

import jax, jax.numpy as jnp
import numpy as np

VOCAB = 100000
D_MODEL = 512
PADDING_IDX = 0

def positional_encoding(nb_words, nb_dimensions):
    X = np.arange(0, nb_words)
    Y = np.arange(0, nb_dimensions)
    Y, X = np.meshgrid(Y, X)
    TEMP = 10000
    temp1 = np.sin(X / np.power(TEMP, 2 * Y / nb_dimensions))
    temp2 = np.cos(X / np.power(TEMP, 2 * Y / nb_dimensions))
    Z = np.zeros((nb_words, nb_dimensions))
    Z[:, 0::2] = temp1[:, 0::2]
    Z[:, 1::2] = temp2[:, 1::2]
    return jnp.asarray(Z, dtype=jnp.float32)

def setup_inputs(seed: int = 0) -> dict:
    key = jax.random.key(seed)
    k1, k2 = jax.random.split(key)
    X = jax.random.randint(k1, (1024, 200), 0, VOCAB, dtype=jnp.int64) if jax.config.jax_enable_x64 else jax.random.randint(k1, (1024, 200), 0, VOCAB, dtype=jnp.int32)
    table = jax.random.normal(k2, (VOCAB, D_MODEL), dtype=jnp.float32)
    table = table.at[PADDING_IDX].set(0.0)
    return {"X": X, "table": table}

def reference(X, table):
    # emulate nn.Embedding with padding_idx=0: row 0 forced to zero
    table = table.at[PADDING_IDX].set(0.0)
    vectors = jnp.take(table, X, axis=0)  # (nb_texts, nb_tokens, d_model)
    pe = positional_encoding(vectors.shape[1], D_MODEL)
    return vectors + pe

if __name__ == "__main__":
    import jax
    _d = setup_inputs()
    print(jax.jit(kernel)(*tuple(_d.values())))

</pallas_src>

<mosaic_0001>
#map = affine_map<(d0, d1) -> (0, 0)>
#map1 = affine_map<(d0, d1) -> (0)>
module attributes {stable_mosaic.version = 14 : i64} {
  func.func @emb(%arg0: i32, %arg1: i32, %arg2: memref<100000x512xf32, #tpu.memory_space<hbm>>, %arg3: memref<204800xi32, #tpu.memory_space<hbm>>, %arg4: memref<208x512xf32, #tpu.memory_space<hbm>>, %arg5: memref<204800x512xf32, #tpu.memory_space<hbm>>, %arg6: memref<6400xi32, #tpu.memory_space<vmem>>, %arg7: memref<208x512xf32, #tpu.memory_space<vmem>>, %arg8: memref<8x512xf32, #tpu.memory_space<vmem>>, %arg9: memref<8x512xf32, #tpu.memory_space<vmem>>, %arg10: memref<8x512xf32, #tpu.memory_space<vmem>>, %arg11: memref<8x512xf32, #tpu.memory_space<vmem>>, %arg12: memref<!tpu.dma_semaphore, #tpu.memory_space<semaphore_mem>>, %arg13: memref<!tpu.dma_semaphore, #tpu.memory_space<semaphore_mem>>, %arg14: memref<!tpu.dma_semaphore, #tpu.memory_space<semaphore_mem>>, %arg15: memref<!tpu.dma_semaphore, #tpu.memory_space<semaphore_mem>>, %arg16: memref<!tpu.dma_semaphore, #tpu.memory_space<semaphore_mem>>, %arg17: memref<!tpu.dma_semaphore, #tpu.memory_space<semaphore_mem>>, %arg18: memref<!tpu.dma_semaphore, #tpu.memory_space<semaphore_mem>>, %arg19: memref<!tpu.dma_semaphore, #tpu.memory_space<semaphore_mem>>) attributes {dimension_semantics = [#tpu.dimension_semantics<core_parallel>, #tpu.dimension_semantics<subcore_parallel>], iteration_bounds = array<i64: 2, 16>, scalar_prefetch = 0 : i64, scratch_operands = 14 : i64, tpu.core_type = #tpu.core_type<sc_vector_subcore>, window_params = [{transform_indices = #map}, {transform_indices = #map1}, {transform_indices = #map}, {transform_indices = #map}]} {
    %mul3A = arith.constant 2 : i32
    %mul3A_0 = arith.muli %arg1, %mul3A : i32
    %add3A = arith.addi %mul3A_0, %arg0 : i32
    %mul3A_1 = arith.constant 6400 : i32
    %mul3A_2 = arith.muli %add3A, %mul3A_1 : i32
    "tpu.region"() ({
      %run_scoped3A = tpu.sem_alloc : memref<!tpu.dma_semaphore, #tpu.memory_space<semaphore_mem>>
      %dma_start3A_31 = tpu.memref_slice %arg3[%mul3A_2] : memref<204800xi32, #tpu.memory_space<hbm>> -> memref<6400xi32, #tpu.memory_space<hbm>>
      %dma_start3A_32 = tpu.memref_slice %arg3[%mul3A_2] : memref<204800xi32, #tpu.memory_space<hbm>> -> memref<6400xi32, #tpu.memory_space<hbm>>
      tpu.enqueue_dma source(%dma_start3A_32 : memref<6400xi32, #tpu.memory_space<hbm>>) target(%arg6 : memref<6400xi32, #tpu.memory_space<vmem>>) target_semaphore(%run_scoped3A : memref<!tpu.dma_semaphore, #tpu.memory_space<semaphore_mem>>)
      %dma_wait3A_33 = tpu.memref_slice %arg3[%mul3A_2] : memref<204800xi32, #tpu.memory_space<hbm>> -> memref<6400xi32, #tpu.memory_space<hbm>>
      %dma_wait3A_34 = tpu.memref_slice %arg3[%mul3A_2] : memref<204800xi32, #tpu.memory_space<hbm>> -> memref<6400xi32, #tpu.memory_space<hbm>>
      tpu.wait_dma2 semaphore(%run_scoped3A : memref<!tpu.dma_semaphore, #tpu.memory_space<semaphore_mem>>) src(%dma_wait3A_34 : memref<6400xi32, #tpu.memory_space<hbm>>) dst(%arg6 : memref<6400xi32, #tpu.memory_space<vmem>>)
      tpu.yield
    }) : () -> ()
    "tpu.region"() ({
      %run_scoped3A = tpu.sem_alloc : memref<!tpu.dma_semaphore, #tpu.memory_space<semaphore_mem>>
      tpu.enqueue_dma source(%arg4 : memref<208x512xf32, #tpu.memory_space<hbm>>) target(%arg7 : memref<208x512xf32, #tpu.memory_space<vmem>>) target_semaphore(%run_scoped3A : memref<!tpu.dma_semaphore, #tpu.memory_space<semaphore_mem>>)
      tpu.wait_dma2 semaphore(%run_scoped3A : memref<!tpu.dma_semaphore, #tpu.memory_space<semaphore_mem>>) src(%arg4 : memref<208x512xf32, #tpu.memory_space<hbm>>) dst(%arg7 : memref<208x512xf32, #tpu.memory_space<vmem>>)
      tpu.yield
    }) : () -> ()
    %dma_start3A = arith.constant 0 : i32
    %dma_start3A_3 = tpu.memref_slice %arg6[%dma_start3A] : memref<6400xi32, #tpu.memory_space<vmem>> -> memref<8xi32, #tpu.memory_space<vmem>>
    %dma_start3A_4 = arith.constant 0 : i32
    %dma_start3A_5 = arith.constant 0 : i32
    %dma_start3A_6 = tpu.memref_slice %arg2[%dma_start3A_4, %dma_start3A_5] : memref<100000x512xf32, #tpu.memory_space<hbm>> -> memref<100000x512xf32, #tpu.memory_space<hbm>>
    tpu.enqueue_indirect_dma source(%dma_start3A_6 : memref<100000x512xf32, #tpu.memory_space<hbm>>) target(%arg8 : memref<8x512xf32, #tpu.memory_space<vmem>>) offsets(%dma_start3A_3 : memref<8xi32, #tpu.memory_space<vmem>>) semaphore(%arg12 : memref<!tpu.dma_semaphore, #tpu.memory_space<semaphore_mem>>)
    %dma_start3A_7 = arith.constant 8 : i32
    %dma_start3A_8 = tpu.memref_slice %arg6[%dma_start3A_7] : memref<6400xi32, #tpu.memory_space<vmem>> -> memref<8xi32, #tpu.memory_space<vmem>>
    %dma_start3A_9 = arith.constant 0 : i32
    %dma_start3A_10 = arith.constant 0 : i32
    %dma_start3A_11 = tpu.memref_slice %arg2[%dma_start3A_9, %dma_start3A_10] : memref<100000x512xf32, #tpu.memory_space<hbm>> -> memref<100000x512xf32, #tpu.memory_space<hbm>>
    tpu.enqueue_indirect_dma source(%dma_start3A_11 : memref<100000x512xf32, #tpu.memory_space<hbm>>) target(%arg9 : memref<8x512xf32, #tpu.memory_space<vmem>>) offsets(%dma_start3A_8 : memref<8xi32, #tpu.memory_space<vmem>>) semaphore(%arg13 : memref<!tpu.dma_semaphore, #tpu.memory_space<semaphore_mem>>)
    %scan3A = arith.constant 0 : i32
    %scan3A_12 = arith.constant 200 : i32
    %scan3A_13 = arith.addi %scan3A, %scan3A_12 : i32
    %scan3A_14 = arith.constant 1 : i32
    scf.for %scan3A_31 = %scan3A to %scan3A_13 step %scan3A_14  : i32 {
      %mul3A_32 = arith.constant 4 : i32
      %mul3A_33 = arith.muli %scan3A_31, %mul3A_32 : i32
      %add3A_34 = arith.constant 0 : i32
      %add3A_35 = arith.addi %add3A_34, %mul3A_33 : i32
      %add3A_36 = arith.constant 0 : i32
      %add3A_37 = arith.addi %add3A_35, %add3A_36 : i32
      %add3A_38 = arith.constant 2 : i32
      %add3A_39 = arith.addi %add3A_37, %add3A_38 : i32
      %lt3A = arith.constant 800 : i32
      %lt3A_40 = arith.cmpi slt, %add3A_39, %lt3A : i32
      %convert_element_type3A = arith.extui %lt3A_40 : i1 to i32
      %cond3A = arith.constant 0 : i32
      %cond3A_41 = arith.cmpi ne, %convert_element_type3A, %cond3A : i32
      scf.if %cond3A_41 {
        %ge3A = arith.constant 2 : i32
        %ge3A_143 = arith.cmpi sge, %add3A_37, %ge3A : i32
        %convert_element_type3A_144 = arith.extui %ge3A_143 : i1 to i32
        %cond3A_145 = arith.constant 0 : i32
        %cond3A_146 = arith.cmpi ne, %convert_element_type3A_144, %cond3A_145 : i32
        scf.if %cond3A_146 {
          %dma_wait3A_155 = arith.constant 0 : i32
          %dma_wait3A_156 = tpu.memref_slice %arg5[%mul3A_2, %dma_wait3A_155] : memref<204800x512xf32, #tpu.memory_space<hbm>> -> memref<8x512xf32, #tpu.memory_space<hbm>>
          %dma_wait3A_157 = arith.constant 0 : i32
          %dma_wait3A_158 = tpu.memref_slice %arg5[%mul3A_2, %dma_wait3A_157] : memref<204800x512xf32, #tpu.memory_space<hbm>> -> memref<8x512xf32, #tpu.memory_space<hbm>>
          tpu.wait_dma2 semaphore(%arg18 : memref<!tpu.dma_semaphore, #tpu.memory_space<semaphore_mem>>) src(%arg10 : memref<8x512xf32, #tpu.memory_space<vmem>>) dst(%dma_wait3A_158 : memref<8x512xf32, #tpu.memory_space<hbm>>)
        } else {
        }
        %add3A_147 = arith.constant 2 : i32
        %add3A_148 = arith.addi %add3A_37, %add3A_147 : i32
        %mul3A_149 = arith.constant 8 : i32
        %mul3A_150 = arith.muli %add3A_148, %mul3A_149 : i32
        %dma_start3A_151 = tpu.memref_slice %arg6[%mul3A_150] : memref<6400xi32, #tpu.memory_space<vmem>> -> memref<8xi32, #tpu.memory_space<vmem>>
        %dma_start3A_152 = arith.constant 0 : i32
        %dma_start3A_153 = arith.constant 0 : i32
        %dma_start3A_154 = tpu.memref_slice %arg2[%dma_start3A_152, %dma_start3A_153] : memref<100000x512xf32, #tpu.memory_space<hbm>> -> memref<100000x512xf32, #tpu.memory_space<hbm>>
        tpu.enqueue_indirect_dma source(%dma_start3A_154 : memref<100000x512xf32, #tpu.memory_space<hbm>>) target(%arg10 : memref<8x512xf32, #tpu.memory_space<vmem>>) offsets(%dma_start3A_151 : memref<8xi32, #tpu.memory_space<vmem>>) semaphore(%arg14 : memref<!tpu.dma_semaphore, #tpu.memory_space<semaphore_mem>>)
      } else {
      }
      %dma_wait3A_42 = arith.constant 0 : i32
      %dma_wait3A_43 = tpu.memref_slice %arg6[%dma_wait3A_42] : memref<6400xi32, #tpu.memory_space<vmem>> -> memref<8xi32, #tpu.memory_space<vmem>>
      %dma_wait3A_44 = arith.constant 0 : i32
      %dma_wait3A_45 = arith.constant 0 : i32
      %dma_wait3A_46 = tpu.memref_slice %arg2[%dma_wait3A_44, %dma_wait3A_45] : memref<100000x512xf32, #tpu.memory_space<hbm>> -> memref<100000x512xf32, #tpu.memory_space<hbm>>
      tpu.wait_indirect_dma semaphore(%arg12 : memref<!tpu.dma_semaphore, #tpu.memory_space<semaphore_mem>>) src(%dma_wait3A_46 : memref<100000x512xf32, #tpu.memory_space<hbm>>) dst(%arg8 : memref<8x512xf32, #tpu.memory_space<vmem>>)
      %mul3A_47 = arith.constant 8 : i32
      %mul3A_48 = arith.muli %add3A_37, %mul3A_47 : i32
      %rem3A = arith.constant 200 : i32
      %rem3A_49 = arith.remsi %mul3A_48, %rem3A : i32
      %parallel_loop3A = arith.constant 0 : i32
      %parallel_loop3A_50 = arith.constant 64 : i32
      %parallel_loop3A_51 = arith.constant 1 : i32
      scf.for %parallel_loop3A_143 = %parallel_loop3A to %parallel_loop3A_50 step %parallel_loop3A_51  : i32 {
        %parallel_loop3A_144 = arith.constant 3 : i32
        %parallel_loop3A_145 = arith.shrui %parallel_loop3A_143, %parallel_loop3A_144 : i32
        %parallel_loop3A_146 = arith.constant 7 : i32
        %parallel_loop3A_147 = arith.andi %parallel_loop3A_143, %parallel_loop3A_146 : i32
        %parallel_loop3A_148 = arith.constant 64 : i32
        %parallel_loop3A_149 = arith.muli %parallel_loop3A_147, %parallel_loop3A_148 : i32
        %parallel_loop3A_150 = arith.addi %rem3A_49, %parallel_loop3A_145 : i32
        %parallel_loop3A_151 = arith.constant 0 : i32
        %parallel_loop3A_152 = arith.addi %parallel_loop3A_149, %parallel_loop3A_151 : i32
        %parallel_loop3A_153 = arith.index_cast %parallel_loop3A_150 : i32 to index
        %parallel_loop3A_154 = arith.index_cast %parallel_loop3A_152 : i32 to index
        %parallel_loop3A_155 = tpu.vector_load %arg7[%parallel_loop3A_153, %parallel_loop3A_154] {strides = array<i32>} : memref<208x512xf32, #tpu.memory_space<vmem>>, vector<1x16xf32>,
        %parallel_loop3A_156 = vector.shape_cast %parallel_loop3A_155 : vector<1x16xf32> to vector<16xf32>
        %parallel_loop3A_157 = arith.index_cast %parallel_loop3A_145 : i32 to index
        %parallel_loop3A_158 = arith.index_cast %parallel_loop3A_152 : i32 to index
        %parallel_loop3A_159 = tpu.vector_load %arg8[%parallel_loop3A_157, %parallel_loop3A_158] {strides = array<i32>} : memref<8x512xf32, #tpu.memory_space<vmem>>, vector<1x16xf32>,
        %parallel_loop3A_160 = vector.shape_cast %parallel_loop3A_159 : vector<1x16xf32> to vector<16xf32>
        %parallel_loop3A_161 = vector.shape_cast %parallel_loop3A_156 : vector<16xf32> to vector<1x16xf32>
        tpu.vector_store %arg8[%parallel_loop3A_157, %parallel_loop3A_158], %parallel_loop3A_161 {add = true, strides = array<i32>} : memref<8x512xf32, #tpu.memory_space<vmem>>, vector<1x16xf32>,
        %parallel_loop3A_162 = arith.constant 16 : i32
        %parallel_loop3A_163 = arith.addi %parallel_loop3A_149, %parallel_loop3A_162 : i32
        %parallel_loop3A_164 = arith.index_cast %parallel_loop3A_150 : i32 to index
        %parallel_loop3A_165 = arith.index_cast %parallel_loop3A_163 : i32 to index
        %parallel_loop3A_166 = tpu.vector_load %arg7[%parallel_loop3A_164, %parallel_loop3A_165] {strides = array<i32>} : memref<208x512xf32, #tpu.memory_space<vmem>>, vector<1x16xf32>,
        %parallel_loop3A_167 = vector.shape_cast %parallel_loop3A_166 : vector<1x16xf32> to vector<16xf32>
        %parallel_loop3A_168 = arith.index_cast %parallel_loop3A_145 : i32 to index
        %parallel_loop3A_169 = arith.index_cast %parallel_loop3A_163 : i32 to index
        %parallel_loop3A_170 = tpu.vector_load %arg8[%parallel_loop3A_168, %parallel_loop3A_169] {strides = array<i32>} : memref<8x512xf32, #tpu.memory_space<vmem>>, vector<1x16xf32>,
        %parallel_loop3A_171 = vector.shape_cast %parallel_loop3A_170 : vector<1x16xf32> to vector<16xf32>
        %parallel_loop3A_172 = vector.shape_cast %parallel_loop3A_167 : vector<16xf32> to vector<1x16xf32>
        tpu.vector_store %arg8[%parallel_loop3A_168, %parallel_loop3A_169], %parallel_loop3A_172 {add = true, strides = array<i32>} : memref<8x512xf32, #tpu.memory_space<vmem>>, vector<1x16xf32>,
        %parallel_loop3A_173 = arith.constant 32 : i32
        %parallel_loop3A_174 = arith.addi %parallel_loop3A_149, %parallel_loop3A_173 : i32
        %parallel_loop3A_175 = arith.index_cast %parallel_loop3A_150 : i32 to index
        %parallel_loop3A_176 = arith.index_cast %parallel_loop3A_174 : i32 to index
        %parallel_loop3A_177 = tpu.vector_load %arg7[%parallel_loop3A_175, %parallel_loop3A_176] {strides = array<i32>} : memref<208x512xf32, #tpu.memory_space<vmem>>, vector<1x16xf32>,
        %parallel_loop3A_178 = vector.shape_cast %parallel_loop3A_177 : vector<1x16xf32> to vector<16xf32>
        %parallel_loop3A_179 = arith.index_cast %parallel_loop3A_145 : i32 to index
        %parallel_loop3A_180 = arith.index_cast %parallel_loop3A_174 : i32 to index
        %parallel_loop3A_181 = tpu.vector_load %arg8[%parallel_loop3A_179, %parallel_loop3A_180] {strides = array<i32>} : memref<8x512xf32, #tpu.memory_space<vmem>>, vector<1x16xf32>,
        %parallel_loop3A_182 = vector.shape_cast %parallel_loop3A_181 : vector<1x16xf32> to vector<16xf32>
        %parallel_loop3A_183 = vector.shape_cast %parallel_loop3A_178 : vector<16xf32> to vector<1x16xf32>
        tpu.vector_store %arg8[%parallel_loop3A_179, %parallel_loop3A_180], %parallel_loop3A_183 {add = true, strides = array<i32>} : memref<8x512xf32, #tpu.memory_space<vmem>>, vector<1x16xf32>,
        %parallel_loop3A_184 = arith.constant 48 : i32
        %parallel_loop3A_185 = arith.addi %parallel_loop3A_149, %parallel_loop3A_184 : i32
        %parallel_loop3A_186 = arith.index_cast %parallel_loop3A_150 : i32 to index
        %parallel_loop3A_187 = arith.index_cast %parallel_loop3A_185 : i32 to index
        %parallel_loop3A_188 = tpu.vector_load %arg7[%parallel_loop3A_186, %parallel_loop3A_187] {strides = array<i32>} : memref<208x512xf32, #tpu.memory_space<vmem>>, vector<1x16xf32>,
        %parallel_loop3A_189 = vector.shape_cast %parallel_loop3A_188 : vector<1x16xf32> to vector<16xf32>
        %parallel_loop3A_190 = arith.index_cast %parallel_loop3A_145 : i32 to index
        %parallel_loop3A_191 = arith.index_cast %parallel_loop3A_185 : i32 to index
        %parallel_loop3A_192 = tpu.vector_load %arg8[%parallel_loop3A_190, %parallel_loop3A_191] {strides = array<i32>} : memref<8x512xf32, #tpu.memory_space<vmem>>, vector<1x16xf32>,
        %parallel_loop3A_193 = vector.shape_cast %parallel_loop3A_192 : vector<1x16xf32> to vector<16xf32>
        %parallel_loop3A_194 = vector.shape_cast %parallel_loop3A_189 : vector<16xf32> to vector<1x16xf32>
        tpu.vector_store %arg8[%parallel_loop3A_190, %parallel_loop3A_191], %parallel_loop3A_194 {add = true, strides = array<i32>} : memref<8x512xf32, #tpu.memory_space<vmem>>, vector<1x16xf32>,
      } {sc.loop_unroll_factor = 1 : i64, sc.parallel_access}
      %mul3A_52 = arith.constant 8 : i32
      %mul3A_53 = arith.muli %add3A_37, %mul3A_52 : i32
      %add3A_54 = arith.addi %mul3A_2, %mul3A_53 : i32
      %dma_start3A_55 = arith.constant 0 : i32
      %dma_start3A_56 = tpu.memref_slice %arg5[%add3A_54, %dma_start3A_55] : memref<204800x512xf32, #tpu.memory_space<hbm>> -> memref<8x512xf32, #tpu.memory_space<hbm>>
      %dma_start3A_57 = arith.constant 0 : i32
      %dma_start3A_58 = tpu.memref_slice %arg5[%add3A_54, %dma_start3A_57] : memref<204800x512xf32, #tpu.memory_space<hbm>> -> memref<8x512xf32, #tpu.memory_space<hbm>>
      tpu.enqueue_dma source(%arg8 : memref<8x512xf32, #tpu.memory_space<vmem>>) target(%dma_start3A_58 : memref<8x512xf32, #tpu.memory_space<hbm>>) target_semaphore(%arg16 : memref<!tpu.dma_semaphore, #tpu.memory_space<semaphore_mem>>)
      %add3A_59 = arith.constant 1 : i32
      %add3A_60 = arith.addi %add3A_35, %add3A_59 : i32
      %add3A_61 = arith.constant 2 : i32
      %add3A_62 = arith.addi %add3A_60, %add3A_61 : i32
      %lt3A_63 = arith.constant 800 : i32
      %lt3A_64 = arith.cmpi slt, %add3A_62, %lt3A_63 : i32
      %convert_element_type3A_65 = arith.extui %lt3A_64 : i1 to i32
      %cond3A_66 = arith.constant 0 : i32
      %cond3A_67 = arith.cmpi ne, %convert_element_type3A_65, %cond3A_66 : i32
      scf.if %cond3A_67 {
        %ge3A = arith.constant 2 : i32
        %ge3A_143 = arith.cmpi sge, %add3A_60, %ge3A : i32
        %convert_element_type3A_144 = arith.extui %ge3A_143 : i1 to i32
        %cond3A_145 = arith.constant 0 : i32
        %cond3A_146 = arith.cmpi ne, %convert_element_type3A_144, %cond3A_145 : i32
        scf.if %cond3A_146 {
          %dma_wait3A_155 = arith.constant 0 : i32
          %dma_wait3A_156 = tpu.memref_slice %arg5[%mul3A_2, %dma_wait3A_155] : memref<204800x512xf32, #tpu.memory_space<hbm>> -> memref<8x512xf32, #tpu.memory_space<hbm>>
          %dma_wait3A_157 = arith.constant 0 : i32
          %dma_wait3A_158 = tpu.memref_slice %arg5[%mul3A_2, %dma_wait3A_157] : memref<204800x512xf32, #tpu.memory_space<hbm>> -> memref<8x512xf32, #tpu.memory_space<hbm>>
          tpu.wait_dma2 semaphore(%arg19 : memref<!tpu.dma_semaphore, #tpu.memory_space<semaphore_mem>>) src(%arg11 : memref<8x512xf32, #tpu.memory_space<vmem>>) dst(%dma_wait3A_158 : memref<8x512xf32, #tpu.memory_space<hbm>>)
        } else {
        }
        %add3A_147 = arith.constant 2 : i32
        %add3A_148 = arith.addi %add3A_60, %add3A_147 : i32
        %mul3A_149 = arith.constant 8 : i32
        %mul3A_150 = arith.muli %add3A_148, %mul3A_149 : i32
        %dma_start3A_151 = tpu.memref_slice %arg6[%mul3A_150] : memref<6400xi32, #tpu.memory_space<vmem>> -> memref<8xi32, #tpu.memory_space<vmem>>
        %dma_start3A_152 = arith.constant 0 : i32
        %dma_start3A_153 = arith.constant 0 : i32
        %dma_start3A_154 = tpu.memref_slice %arg2[%dma_start3A_152, %dma_start3A_153] : memref<100000x512xf32, #tpu.memory_space<hbm>> -> memref<100000x512xf32, #tpu.memory_space<hbm>>
        tpu.enqueue_indirect_dma source(%dma_start3A_154 : memref<100000x512xf32, #tpu.memory_space<hbm>>) target(%arg11 : memref<8x512xf32, #tpu.memory_space<vmem>>) offsets(%dma_start3A_151 : memref<8xi32, #tpu.memory_space<vmem>>) semaphore(%arg15 : memref<!tpu.dma_semaphore, #tpu.memory_space<semaphore_mem>>)
      } else {
      }
      %dma_wait3A_68 = arith.constant 0 : i32
      %dma_wait3A_69 = tpu.memref_slice %arg6[%dma_wait3A_68] : memref<6400xi32, #tpu.memory_space<vmem>> -> memref<8xi32, #tpu.memory_space<vmem>>
      %dma_wait3A_70 = arith.constant 0 : i32
      %dma_wait3A_71 = arith.constant 0 : i32
      %dma_wait3A_72 = tpu.memref_slice %arg2[%dma_wait3A_70, %dma_wait3A_71] : memref<100000x512xf32, #tpu.memory_space<hbm>> -> memref<100000x512xf32, #tpu.memory_space<hbm>>
      tpu.wait_indirect_dma semaphore(%arg13 : memref<!tpu.dma_semaphore, #tpu.memory_space<semaphore_mem>>) src(%dma_wait3A_72 : memref<100000x512xf32, #tpu.memory_space<hbm>>) dst(%arg9 : memref<8x512xf32, #tpu.memory_space<vmem>>)
      %mul3A_73 = arith.constant 8 : i32
      %mul3A_74 = arith.muli %add3A_60, %mul3A_73 : i32
      %rem3A_75 = arith.constant 200 : i32
      %rem3A_76 = arith.remsi %mul3A_74, %rem3A_75 : i32
      %parallel_loop3A_77 = arith.constant 0 : i32
      %parallel_loop3A_78 = arith.constant 64 : i32
      %parallel_loop3A_79 = arith.constant 1 : i32
      scf.for %parallel_loop3A_143 = %parallel_loop3A_77 to %parallel_loop3A_78 step %parallel_loop3A_79  : i32 {
        %parallel_loop3A_144 = arith.constant 3 : i32
        %parallel_loop3A_145 = arith.shrui %parallel_loop3A_143, %parallel_loop3A_144 : i32
        %parallel_loop3A_146 = arith.constant 7 : i32
        %parallel_loop3A_147 = arith.andi %parallel_loop3A_143, %parallel_loop3A_146 : i32
        %parallel_loop3A_148 = arith.constant 64 : i32
        %parallel_loop3A_149 = arith.muli %parallel_loop3A_147, %parallel_loop3A_148 : i32
        %parallel_loop3A_150 = arith.addi %rem3A_76, %parallel_loop3A_145 : i32
        %parallel_loop3A_151 = arith.constant 0 : i32
        %parallel_loop3A_152 = arith.addi %parallel_loop3A_149, %parallel_loop3A_151 : i32
        %parallel_loop3A_153 = arith.index_cast %parallel_loop3A_150 : i32 to index
        %parallel_loop3A_154 = arith.index_cast %parallel_loop3A_152 : i32 to index
        %parallel_loop3A_155 = tpu.vector_load %arg7[%parallel_loop3A_153, %parallel_loop3A_154] {strides = array<i32>} : memref<208x512xf32, #tpu.memory_space<vmem>>, vector<1x16xf32>,
        %parallel_loop3A_156 = vector.shape_cast %parallel_loop3A_155 : vector<1x16xf32> to vector<16xf32>
        %parallel_loop3A_157 = arith.index_cast %parallel_loop3A_145 : i32 to index
        %parallel_loop3A_158 = arith.index_cast %parallel_loop3A_152 : i32 to index
        %parallel_loop3A_159 = tpu.vector_load %arg9[%parallel_loop3A_157, %parallel_loop3A_158] {strides = array<i32>} : memref<8x512xf32, #tpu.memory_space<vmem>>, vector<1x16xf32>,
        %parallel_loop3A_160 = vector.shape_cast %parallel_loop3A_159 : vector<1x16xf32> to vector<16xf32>
        %parallel_loop3A_161 = vector.shape_cast %parallel_loop3A_156 : vector<16xf32> to vector<1x16xf32>
        tpu.vector_store %arg9[%parallel_loop3A_157, %parallel_loop3A_158], %parallel_loop3A_161 {add = true, strides = array<i32>} : memref<8x512xf32, #tpu.memory_space<vmem>>, vector<1x16xf32>,
        %parallel_loop3A_162 = arith.constant 16 : i32
        %parallel_loop3A_163 = arith.addi %parallel_loop3A_149, %parallel_loop3A_162 : i32
        %parallel_loop3A_164 = arith.index_cast %parallel_loop3A_150 : i32 to index
        %parallel_loop3A_165 = arith.index_cast %parallel_loop3A_163 : i32 to index
        %parallel_loop3A_166 = tpu.vector_load %arg7[%parallel_loop3A_164, %parallel_loop3A_165] {strides = array<i32>} : memref<208x512xf32, #tpu.memory_space<vmem>>, vector<1x16xf32>,
        %parallel_loop3A_167 = vector.shape_cast %parallel_loop3A_166 : vector<1x16xf32> to vector<16xf32>
        %parallel_loop3A_168 = arith.index_cast %parallel_loop3A_145 : i32 to index
        %parallel_loop3A_169 = arith.index_cast %parallel_loop3A_163 : i32 to index
        %parallel_loop3A_170 = tpu.vector_load %arg9[%parallel_loop3A_168, %parallel_loop3A_169] {strides = array<i32>} : memref<8x512xf32, #tpu.memory_space<vmem>>, vector<1x16xf32>,
        %parallel_loop3A_171 = vector.shape_cast %parallel_loop3A_170 : vector<1x16xf32> to vector<16xf32>
        %parallel_loop3A_172 = vector.shape_cast %parallel_loop3A_167 : vector<16xf32> to vector<1x16xf32>
        tpu.vector_store %arg9[%parallel_loop3A_168, %parallel_loop3A_169], %parallel_loop3A_172 {add = true, strides = array<i32>} : memref<8x512xf32, #tpu.memory_space<vmem>>, vector<1x16xf32>,
        %parallel_loop3A_173 = arith.constant 32 : i32
        %parallel_loop3A_174 = arith.addi %parallel_loop3A_149, %parallel_loop3A_173 : i32
        %parallel_loop3A_175 = arith.index_cast %parallel_loop3A_150 : i32 to index
        %parallel_loop3A_176 = arith.index_cast %parallel_loop3A_174 : i32 to index
        %parallel_loop3A_177 = tpu.vector_load %arg7[%parallel_loop3A_175, %parallel_loop3A_176] {strides = array<i32>} : memref<208x512xf32, #tpu.memory_space<vmem>>, vector<1x16xf32>,
        %parallel_loop3A_178 = vector.shape_cast %parallel_loop3A_177 : vector<1x16xf32> to vector<16xf32>
        %parallel_loop3A_179 = arith.index_cast %parallel_loop3A_145 : i32 to index
        %parallel_loop3A_180 = arith.index_cast %parallel_loop3A_174 : i32 to index
        %parallel_loop3A_181 = tpu.vector_load %arg9[%parallel_loop3A_179, %parallel_loop3A_180] {strides = array<i32>} : memref<8x512xf32, #tpu.memory_space<vmem>>, vector<1x16xf32>,
        %parallel_loop3A_182 = vector.shape_cast %parallel_loop3A_181 : vector<1x16xf32> to vector<16xf32>
        %parallel_loop3A_183 = vector.shape_cast %parallel_loop3A_178 : vector<16xf32> to vector<1x16xf32>
        tpu.vector_store %arg9[%parallel_loop3A_179, %parallel_loop3A_180], %parallel_loop3A_183 {add = true, strides = array<i32>} : memref<8x512xf32, #tpu.memory_space<vmem>>, vector<1x16xf32>,
        %parallel_loop3A_184 = arith.constant 48 : i32
        %parallel_loop3A_185 = arith.addi %parallel_loop3A_149, %parallel_loop3A_184 : i32
        %parallel_loop3A_186 = arith.index_cast %parallel_loop3A_150 : i32 to index
        %parallel_loop3A_187 = arith.index_cast %parallel_loop3A_185 : i32 to index
        %parallel_loop3A_188 = tpu.vector_load %arg7[%parallel_loop3A_186, %parallel_loop3A_187] {strides = array<i32>} : memref<208x512xf32, #tpu.memory_space<vmem>>, vector<1x16xf32>,
        %parallel_loop3A_189 = vector.shape_cast %parallel_loop3A_188 : vector<1x16xf32> to vector<16xf32>
        %parallel_loop3A_190 = arith.index_cast %parallel_loop3A_145 : i32 to index
        %parallel_loop3A_191 = arith.index_cast %parallel_loop3A_185 : i32 to index
        %parallel_loop3A_192 = tpu.vector_load %arg9[%parallel_loop3A_190, %parallel_loop3A_191] {strides = array<i32>} : memref<8x512xf32, #tpu.memory_space<vmem>>, vector<1x16xf32>,
        %parallel_loop3A_193 = vector.shape_cast %parallel_loop3A_192 : vector<1x16xf32> to vector<16xf32>
        %parallel_loop3A_194 = vector.shape_cast %parallel_loop3A_189 : vector<16xf32> to vector<1x16xf32>
        tpu.vector_store %arg9[%parallel_loop3A_190, %parallel_loop3A_191], %parallel_loop3A_194 {add = true, strides = array<i32>} : memref<8x512xf32, #tpu.memory_space<vmem>>, vector<1x16xf32>,
      } {sc.loop_unroll_factor = 1 : i64, sc.parallel_access}
      %mul3A_80 = arith.constant 8 : i32
      %mul3A_81 = arith.muli %add3A_60, %mul3A_80 : i32
      %add3A_82 = arith.addi %mul3A_2, %mul3A_81 : i32
      %dma_start3A_83 = arith.constant 0 : i32
      %dma_start3A_84 = tpu.memref_slice %arg5[%add3A_82, %dma_start3A_83] : memref<204800x512xf32, #tpu.memory_space<hbm>> -> memref<8x512xf32, #tpu.memory_space<hbm>>
      %dma_start3A_85 = arith.constant 0 : i32
      %dma_start3A_86 = tpu.memref_slice %arg5[%add3A_82, %dma_start3A_85] : memref<204800x512xf32, #tpu.memory_space<hbm>> -> memref<8x512xf32, #tpu.memory_space<hbm>>
      tpu.enqueue_dma source(%arg9 : memref<8x512xf32, #tpu.memory_space<vmem>>) target(%dma_start3A_86 : memref<8x512xf32, #tpu.memory_space<hbm>>) target_semaphore(%arg17 : memref<!tpu.dma_semaphore, #tpu.memory_space<semaphore_mem>>)
      %add3A_87 = arith.constant 2 : i32
      %add3A_88 = arith.addi %add3A_35, %add3A_87 : i32
      %add3A_89 = arith.constant 2 : i32
      %add3A_90 = arith.addi %add3A_88, %add3A_89 : i32
      %lt3A_91 = arith.constant 800 : i32
      %lt3A_92 = arith.cmpi slt, %add3A_90, %lt3A_91 : i32
      %convert_element_type3A_93 = arith.extui %lt3A_92 : i1 to i32
      %cond3A_94 = arith.constant 0 : i32
      %cond3A_95 = arith.cmpi ne, %convert_element_type3A_93, %cond3A_94 : i32
      scf.if %cond3A_95 {
        %ge3A = arith.constant 2 : i32
        %ge3A_143 = arith.cmpi sge, %add3A_88, %ge3A : i32
        %convert_element_type3A_144 = arith.extui %ge3A_143 : i1 to i32
        %cond3A_145 = arith.constant 0 : i32
        %cond3A_146 = arith.cmpi ne, %convert_element_type3A_144, %cond3A_145 : i32
        scf.if %cond3A_146 {
          %dma_wait3A_155 = arith.constant 0 : i32
          %dma_wait3A_156 = tpu.memref_slice %arg5[%mul3A_2, %dma_wait3A_155] : memref<204800x512xf32, #tpu.memory_space<hbm>> -> memref<8x512xf32, #tpu.memory_space<hbm>>
          %dma_wait3A_157 = arith.constant 0 : i32
          %dma_wait3A_158 = tpu.memref_slice %arg5[%mul3A_2, %dma_wait3A_157] : memref<204800x512xf32, #tpu.memory_space<hbm>> -> memref<8x512xf32, #tpu.memory_space<hbm>>
          tpu.wait_dma2 semaphore(%arg16 : memref<!tpu.dma_semaphore, #tpu.memory_space<semaphore_mem>>) src(%arg8 : memref<8x512xf32, #tpu.memory_space<vmem>>) dst(%dma_wait3A_158 : memref<8x512xf32, #tpu.memory_space<hbm>>)
        } else {
        }
        %add3A_147 = arith.constant 2 : i32
        %add3A_148 = arith.addi %add3A_88, %add3A_147 : i32
        %mul3A_149 = arith.constant 8 : i32
        %mul3A_150 = arith.muli %add3A_148, %mul3A_149 : i32
        %dma_start3A_151 = tpu.memref_slice %arg6[%mul3A_150] : memref<6400xi32, #tpu.memory_space<vmem>> -> memref<8xi32, #tpu.memory_space<vmem>>
        %dma_start3A_152 = arith.constant 0 : i32
        %dma_start3A_153 = arith.constant 0 : i32
        %dma_start3A_154 = tpu.memref_slice %arg2[%dma_start3A_152, %dma_start3A_153] : memref<100000x512xf32, #tpu.memory_space<hbm>> -> memref<100000x512xf32, #tpu.memory_space<hbm>>
        tpu.enqueue_indirect_dma source(%dma_start3A_154 : memref<100000x512xf32, #tpu.memory_space<hbm>>) target(%arg8 : memref<8x512xf32, #tpu.memory_space<vmem>>) offsets(%dma_start3A_151 : memref<8xi32, #tpu.memory_space<vmem>>) semaphore(%arg12 : memref<!tpu.dma_semaphore, #tpu.memory_space<semaphore_mem>>)
      } else {
      }
      %dma_wait3A_96 = arith.constant 0 : i32
      %dma_wait3A_97 = tpu.memref_slice %arg6[%dma_wait3A_96] : memref<6400xi32, #tpu.memory_space<vmem>> -> memref<8xi32, #tpu.memory_space<vmem>>
      %dma_wait3A_98 = arith.constant 0 : i32
      %dma_wait3A_99 = arith.constant 0 : i32
      %dma_wait3A_100 = tpu.memref_slice %arg2[%dma_wait3A_98, %dma_wait3A_99] : memref<100000x512xf32, #tpu.memory_space<hbm>> -> memref<100000x512xf32, #tpu.memory_space<hbm>>
      tpu.wait_indirect_dma semaphore(%arg14 : memref<!tpu.dma_semaphore, #tpu.memory_space<semaphore_mem>>) src(%dma_wait3A_100 : memref<100000x512xf32, #tpu.memory_space<hbm>>) dst(%arg10 : memref<8x512xf32, #tpu.memory_space<vmem>>)
      %mul3A_101 = arith.constant 8 : i32
      %mul3A_102 = arith.muli %add3A_88, %mul3A_101 : i32
      %rem3A_103 = arith.constant 200 : i32
      %rem3A_104 = arith.remsi %mul3A_102, %rem3A_103 : i32
      %parallel_loop3A_105 = arith.constant 0 : i32
      %parallel_loop3A_106 = arith.constant 64 : i32
      %parallel_loop3A_107 = arith.constant 1 : i32
      scf.for %parallel_loop3A_143 = %parallel_loop3A_105 to %parallel_loop3A_106 step %parallel_loop3A_107  : i32 {
        %parallel_loop3A_144 = arith.constant 3 : i32
        %parallel_loop3A_145 = arith.shrui %parallel_loop3A_143, %parallel_loop3A_144 : i32
        %parallel_loop3A_146 = arith.constant 7 : i32
        %parallel_loop3A_147 = arith.andi %parallel_loop3A_143, %parallel_loop3A_146 : i32
        %parallel_loop3A_148 = arith.constant 64 : i32
        %parallel_loop3A_149 = arith.muli %parallel_loop3A_147, %parallel_loop3A_148 : i32
        %parallel_loop3A_150 = arith.addi %rem3A_104, %parallel_loop3A_145 : i32
        %parallel_loop3A_151 = arith.constant 0 : i32
        %parallel_loop3A_152 = arith.addi %parallel_loop3A_149, %parallel_loop3A_151 : i32
        %parallel_loop3A_153 = arith.index_cast %parallel_loop3A_150 : i32 to index
        %parallel_loop3A_154 = arith.index_cast %parallel_loop3A_152 : i32 to index
        %parallel_loop3A_155 = tpu.vector_load %arg7[%parallel_loop3A_153, %parallel_loop3A_154] {strides = array<i32>} : memref<208x512xf32, #tpu.memory_space<vmem>>, vector<1x16xf32>,
        %parallel_loop3A_156 = vector.shape_cast %parallel_loop3A_155 : vector<1x16xf32> to vector<16xf32>
        %parallel_loop3A_157 = arith.index_cast %parallel_loop3A_145 : i32 to index
        %parallel_loop3A_158 = arith.index_cast %parallel_loop3A_152 : i32 to index
        %parallel_loop3A_159 = tpu.vector_load %arg10[%parallel_loop3A_157, %parallel_loop3A_158] {strides = array<i32>} : memref<8x512xf32, #tpu.memory_space<vmem>>, vector<1x16xf32>,
        %parallel_loop3A_160 = vector.shape_cast %parallel_loop3A_159 : vector<1x16xf32> to vector<16xf32>
        %parallel_loop3A_161 = vector.shape_cast %parallel_loop3A_156 : vector<16xf32> to vector<1x16xf32>
        tpu.vector_store %arg10[%parallel_loop3A_157, %parallel_loop3A_158], %parallel_loop3A_161 {add = true, strides = array<i32>} : memref<8x512xf32, #tpu.memory_space<vmem>>, vector<1x16xf32>,
        %parallel_loop3A_162 = arith.constant 16 : i32
        %parallel_loop3A_163 = arith.addi %parallel_loop3A_149, %parallel_loop3A_162 : i32
        %parallel_loop3A_164 = arith.index_cast %parallel_loop3A_150 : i32 to index
        %parallel_loop3A_165 = arith.index_cast %parallel_loop3A_163 : i32 to index
        %parallel_loop3A_166 = tpu.vector_load %arg7[%parallel_loop3A_164, %parallel_loop3A_165] {strides = array<i32>} : memref<208x512xf32, #tpu.memory_space<vmem>>, vector<1x16xf32>,
        %parallel_loop3A_167 = vector.shape_cast %parallel_loop3A_166 : vector<1x16xf32> to vector<16xf32>
        %parallel_loop3A_168 = arith.index_cast %parallel_loop3A_145 : i32 to index
        %parallel_loop3A_169 = arith.index_cast %parallel_loop3A_163 : i32 to index
        %parallel_loop3A_170 = tpu.vector_load %arg10[%parallel_loop3A_168, %parallel_loop3A_169] {strides = array<i32>} : memref<8x512xf32, #tpu.memory_space<vmem>>, vector<1x16xf32>,
        %parallel_loop3A_171 = vector.shape_cast %parallel_loop3A_170 : vector<1x16xf32> to vector<16xf32>
        %parallel_loop3A_172 = vector.shape_cast %parallel_loop3A_167 : vector<16xf32> to vector<1x16xf32>
        tpu.vector_store %arg10[%parallel_loop3A_168, %parallel_loop3A_169], %parallel_loop3A_172 {add = true, strides = array<i32>} : memref<8x512xf32, #tpu.memory_space<vmem>>, vector<1x16xf32>,
        %parallel_loop3A_173 = arith.constant 32 : i32
        %parallel_loop3A_174 = arith.addi %parallel_loop3A_149, %parallel_loop3A_173 : i32
        %parallel_loop3A_175 = arith.index_cast %parallel_loop3A_150 : i32 to index
        %parallel_loop3A_176 = arith.index_cast %parallel_loop3A_174 : i32 to index
        %parallel_loop3A_177 = tpu.vector_load %arg7[%parallel_loop3A_175, %parallel_loop3A_176] {strides = array<i32>} : memref<208x512xf32, #tpu.memory_space<vmem>>, vector<1x16xf32>,
        %parallel_loop3A_178 = vector.shape_cast %parallel_loop3A_177 : vector<1x16xf32> to vector<16xf32>
        %parallel_loop3A_179 = arith.index_cast %parallel_loop3A_145 : i32 to index
        %parallel_loop3A_180 = arith.index_cast %parallel_loop3A_174 : i32 to index
        %parallel_loop3A_181 = tpu.vector_load %arg10[%parallel_loop3A_179, %parallel_loop3A_180] {strides = array<i32>} : memref<8x512xf32, #tpu.memory_space<vmem>>, vector<1x16xf32>,
        %parallel_loop3A_182 = vector.shape_cast %parallel_loop3A_181 : vector<1x16xf32> to vector<16xf32>
        %parallel_loop3A_183 = vector.shape_cast %parallel_loop3A_178 : vector<16xf32> to vector<1x16xf32>
        tpu.vector_store %arg10[%parallel_loop3A_179, %parallel_loop3A_180], %parallel_loop3A_183 {add = true, strides = array<i32>} : memref<8x512xf32, #tpu.memory_space<vmem>>, vector<1x16xf32>,
        %parallel_loop3A_184 = arith.constant 48 : i32
        %parallel_loop3A_185 = arith.addi %parallel_loop3A_149, %parallel_loop3A_184 : i32
        %parallel_loop3A_186 = arith.index_cast %parallel_loop3A_150 : i32 to index
        %parallel_loop3A_187 = arith.index_cast %parallel_loop3A_185 : i32 to index
        %parallel_loop3A_188 = tpu.vector_load %arg7[%parallel_loop3A_186, %parallel_loop3A_187] {strides = array<i32>} : memref<208x512xf32, #tpu.memory_space<vmem>>, vector<1x16xf32>,
        %parallel_loop3A_189 = vector.shape_cast %parallel_loop3A_188 : vector<1x16xf32> to vector<16xf32>
        %parallel_loop3A_190 = arith.index_cast %parallel_loop3A_145 : i32 to index
        %parallel_loop3A_191 = arith.index_cast %parallel_loop3A_185 : i32 to index
        %parallel_loop3A_192 = tpu.vector_load %arg10[%parallel_loop3A_190, %parallel_loop3A_191] {strides = array<i32>} : memref<8x512xf32, #tpu.memory_space<vmem>>, vector<1x16xf32>,
        %parallel_loop3A_193 = vector.shape_cast %parallel_loop3A_192 : vector<1x16xf32> to vector<16xf32>
        %parallel_loop3A_194 = vector.shape_cast %parallel_loop3A_189 : vector<16xf32> to vector<1x16xf32>
        tpu.vector_store %arg10[%parallel_loop3A_190, %parallel_loop3A_191], %parallel_loop3A_194 {add = true, strides = array<i32>} : memref<8x512xf32, #tpu.memory_space<vmem>>, vector<1x16xf32>,
      } {sc.loop_unroll_factor = 1 : i64, sc.parallel_access}
      %mul3A_108 = arith.constant 8 : i32
      %mul3A_109 = arith.muli %add3A_88, %mul3A_108 : i32
      %add3A_110 = arith.addi %mul3A_2, %mul3A_109 : i32
      %dma_start3A_111 = arith.constant 0 : i32
      %dma_start3A_112 = tpu.memref_slice %arg5[%add3A_110, %dma_start3A_111] : memref<204800x512xf32, #tpu.memory_space<hbm>> -> memref<8x512xf32, #tpu.memory_space<hbm>>
      %dma_start3A_113 = arith.constant 0 : i32
      %dma_start3A_114 = tpu.memref_slice %arg5[%add3A_110, %dma_start3A_113] : memref<204800x512xf32, #tpu.memory_space<hbm>> -> memref<8x512xf32, #tpu.memory_space<hbm>>
      tpu.enqueue_dma source(%arg10 : memref<8x512xf32, #tpu.memory_space<vmem>>) target(%dma_start3A_114 : memref<8x512xf32, #tpu.memory_space<hbm>>) target_semaphore(%arg18 : memref<!tpu.dma_semaphore, #tpu.memory_space<semaphore_mem>>)
      %add3A_115 = arith.constant 3 : i32
      %add3A_116 = arith.addi %add3A_35, %add3A_115 : i32
      %add3A_117 = arith.constant 2 : i32
      %add3A_118 = arith.addi %add3A_116, %add3A_117 : i32
      %lt3A_119 = arith.constant 800 : i32
      %lt3A_120 = arith.cmpi slt, %add3A_118, %lt3A_119 : i32
      %convert_element_type3A_121 = arith.extui %lt3A_120 : i1 to i32
      %cond3A_122 = arith.constant 0 : i32
      %cond3A_123 = arith.cmpi ne, %convert_element_type3A_121, %cond3A_122 : i32
      scf.if %cond3A_123 {
        %ge3A = arith.constant 2 : i32
        %ge3A_143 = arith.cmpi sge, %add3A_116, %ge3A : i32
        %convert_element_type3A_144 = arith.extui %ge3A_143 : i1 to i32
        %cond3A_145 = arith.constant 0 : i32
        %cond3A_146 = arith.cmpi ne, %convert_element_type3A_144, %cond3A_145 : i32
        scf.if %cond3A_146 {
          %dma_wait3A_155 = arith.constant 0 : i32
          %dma_wait3A_156 = tpu.memref_slice %arg5[%mul3A_2, %dma_wait3A_155] : memref<204800x512xf32, #tpu.memory_space<hbm>> -> memref<8x512xf32, #tpu.memory_space<hbm>>
          %dma_wait3A_157 = arith.constant 0 : i32
          %dma_wait3A_158 = tpu.memref_slice %arg5[%mul3A_2, %dma_wait3A_157] : memref<204800x512xf32, #tpu.memory_space<hbm>> -> memref<8x512xf32, #tpu.memory_space<hbm>>
          tpu.wait_dma2 semaphore(%arg17 : memref<!tpu.dma_semaphore, #tpu.memory_space<semaphore_mem>>) src(%arg9 : memref<8x512xf32, #tpu.memory_space<vmem>>) dst(%dma_wait3A_158 : memref<8x512xf32, #tpu.memory_space<hbm>>)
        } else {
        }
        %add3A_147 = arith.constant 2 : i32
        %add3A_148 = arith.addi %add3A_116, %add3A_147 : i32
        %mul3A_149 = arith.constant 8 : i32
        %mul3A_150 = arith.muli %add3A_148, %mul3A_149 : i32
        %dma_start3A_151 = tpu.memref_slice %arg6[%mul3A_150] : memref<6400xi32, #tpu.memory_space<vmem>> -> memref<8xi32, #tpu.memory_space<vmem>>
        %dma_start3A_152 = arith.constant 0 : i32
        %dma_start3A_153 = arith.constant 0 : i32
        %dma_start3A_154 = tpu.memref_slice %arg2[%dma_start3A_152, %dma_start3A_153] : memref<100000x512xf32, #tpu.memory_space<hbm>> -> memref<100000x512xf32, #tpu.memory_space<hbm>>
        tpu.enqueue_indirect_dma source(%dma_start3A_154 : memref<100000x512xf32, #tpu.memory_space<hbm>>) target(%arg9 : memref<8x512xf32, #tpu.memory_space<vmem>>) offsets(%dma_start3A_151 : memref<8xi32, #tpu.memory_space<vmem>>) semaphore(%arg13 : memref<!tpu.dma_semaphore, #tpu.memory_space<semaphore_mem>>)
      } else {
      }
      %dma_wait3A_124 = arith.constant 0 : i32
      %dma_wait3A_125 = tpu.memref_slice %arg6[%dma_wait3A_124] : memref<6400xi32, #tpu.memory_space<vmem>> -> memref<8xi32, #tpu.memory_space<vmem>>
      %dma_wait3A_126 = arith.constant 0 : i32
      %dma_wait3A_127 = arith.constant 0 : i32
      %dma_wait3A_128 = tpu.memref_slice %arg2[%dma_wait3A_126, %dma_wait3A_127] : memref<100000x512xf32, #tpu.memory_space<hbm>> -> memref<100000x512xf32, #tpu.memory_space<hbm>>
      tpu.wait_indirect_dma semaphore(%arg15 : memref<!tpu.dma_semaphore, #tpu.memory_space<semaphore_mem>>) src(%dma_wait3A_128 : memref<100000x512xf32, #tpu.memory_space<hbm>>) dst(%arg11 : memref<8x512xf32, #tpu.memory_space<vmem>>)
      %mul3A_129 = arith.constant 8 : i32
      %mul3A_130 = arith.muli %add3A_116, %mul3A_129 : i32
      %rem3A_131 = arith.constant 200 : i32
      %rem3A_132 = arith.remsi %mul3A_130, %rem3A_131 : i32
      %parallel_loop3A_133 = arith.constant 0 : i32
      %parallel_loop3A_134 = arith.constant 64 : i32
      %parallel_loop3A_135 = arith.constant 1 : i32
      scf.for %parallel_loop3A_143 = %parallel_loop3A_133 to %parallel_loop3A_134 step %parallel_loop3A_135  : i32 {
        %parallel_loop3A_144 = arith.constant 3 : i32
        %parallel_loop3A_145 = arith.shrui %parallel_loop3A_143, %parallel_loop3A_144 : i32
        %parallel_loop3A_146 = arith.constant 7 : i32
        %parallel_loop3A_147 = arith.andi %parallel_loop3A_143, %parallel_loop3A_146 : i32
        %parallel_loop3A_148 = arith.constant 64 : i32
        %parallel_loop3A_149 = arith.muli %parallel_loop3A_147, %parallel_loop3A_148 : i32
        %parallel_loop3A_150 = arith.addi %rem3A_132, %parallel_loop3A_145 : i32
        %parallel_loop3A_151 = arith.constant 0 : i32
        %parallel_loop3A_152 = arith.addi %parallel_loop3A_149, %parallel_loop3A_151 : i32
        %parallel_loop3A_153 = arith.index_cast %parallel_loop3A_150 : i32 to index
        %parallel_loop3A_154 = arith.index_cast %parallel_loop3A_152 : i32 to index
        %parallel_loop3A_155 = tpu.vector_load %arg7[%parallel_loop3A_153, %parallel_loop3A_154] {strides = array<i32>} : memref<208x512xf32, #tpu.memory_space<vmem>>, vector<1x16xf32>,
        %parallel_loop3A_156 = vector.shape_cast %parallel_loop3A_155 : vector<1x16xf32> to vector<16xf32>
        %parallel_loop3A_157 = arith.index_cast %parallel_loop3A_145 : i32 to index
        %parallel_loop3A_158 = arith.index_cast %parallel_loop3A_152 : i32 to index
        %parallel_loop3A_159 = tpu.vector_load %arg11[%parallel_loop3A_157, %parallel_loop3A_158] {strides = array<i32>} : memref<8x512xf32, #tpu.memory_space<vmem>>, vector<1x16xf32>,
        %parallel_loop3A_160 = vector.shape_cast %parallel_loop3A_159 : vector<1x16xf32> to vector<16xf32>
        %parallel_loop3A_161 = vector.shape_cast %parallel_loop3A_156 : vector<16xf32> to vector<1x16xf32>
        tpu.vector_store %arg11[%parallel_loop3A_157, %parallel_loop3A_158], %parallel_loop3A_161 {add = true, strides = array<i32>} : memref<8x512xf32, #tpu.memory_space<vmem>>, vector<1x16xf32>,
        %parallel_loop3A_162 = arith.constant 16 : i32
        %parallel_loop3A_163 = arith.addi %parallel_loop3A_149, %parallel_loop3A_162 : i32
        %parallel_loop3A_164 = arith.index_cast %parallel_loop3A_150 : i32 to index
        %parallel_loop3A_165 = arith.index_cast %parallel_loop3A_163 : i32 to index
        %parallel_loop3A_166 = tpu.vector_load %arg7[%parallel_loop3A_164, %parallel_loop3A_165] {strides = array<i32>} : memref<208x512xf32, #tpu.memory_space<vmem>>, vector<1x16xf32>,
        %parallel_loop3A_167 = vector.shape_cast %parallel_loop3A_166 : vector<1x16xf32> to vector<16xf32>
        %parallel_loop3A_168 = arith.index_cast %parallel_loop3A_145 : i32 to index
        %parallel_loop3A_169 = arith.index_cast %parallel_loop3A_163 : i32 to index
        %parallel_loop3A_170 = tpu.vector_load %arg11[%parallel_loop3A_168, %parallel_loop3A_169] {strides = array<i32>} : memref<8x512xf32, #tpu.memory_space<vmem>>, vector<1x16xf32>,
        %parallel_loop3A_171 = vector.shape_cast %parallel_loop3A_170 : vector<1x16xf32> to vector<16xf32>
        %parallel_loop3A_172 = vector.shape_cast %parallel_loop3A_167 : vector<16xf32> to vector<1x16xf32>
        tpu.vector_store %arg11[%parallel_loop3A_168, %parallel_loop3A_169], %parallel_loop3A_172 {add = true, strides = array<i32>} : memref<8x512xf32, #tpu.memory_space<vmem>>, vector<1x16xf32>,
        %parallel_loop3A_173 = arith.constant 32 : i32
        %parallel_loop3A_174 = arith.addi %parallel_loop3A_149, %parallel_loop3A_173 : i32
        %parallel_loop3A_175 = arith.index_cast %parallel_loop3A_150 : i32 to index
        %parallel_loop3A_176 = arith.index_cast %parallel_loop3A_174 : i32 to index
        %parallel_loop3A_177 = tpu.vector_load %arg7[%parallel_loop3A_175, %parallel_loop3A_176] {strides = array<i32>} : memref<208x512xf32, #tpu.memory_space<vmem>>, vector<1x16xf32>,
        %parallel_loop3A_178 = vector.shape_cast %parallel_loop3A_177 : vector<1x16xf32> to vector<16xf32>
        %parallel_loop3A_179 = arith.index_cast %parallel_loop3A_145 : i32 to index
        %parallel_loop3A_180 = arith.index_cast %parallel_loop3A_174 : i32 to index
        %parallel_loop3A_181 = tpu.vector_load %arg11[%parallel_loop3A_179, %parallel_loop3A_180] {strides = array<i32>} : memref<8x512xf32, #tpu.memory_space<vmem>>, vector<1x16xf32>,
        %parallel_loop3A_182 = vector.shape_cast %parallel_loop3A_181 : vector<1x16xf32> to vector<16xf32>
        %parallel_loop3A_183 = vector.shape_cast %parallel_loop3A_178 : vector<16xf32> to vector<1x16xf32>
        tpu.vector_store %arg11[%parallel_loop3A_179, %parallel_loop3A_180], %parallel_loop3A_183 {add = true, strides = array<i32>} : memref<8x512xf32, #tpu.memory_space<vmem>>, vector<1x16xf32>,
        %parallel_loop3A_184 = arith.constant 48 : i32
        %parallel_loop3A_185 = arith.addi %parallel_loop3A_149, %parallel_loop3A_184 : i32
        %parallel_loop3A_186 = arith.index_cast %parallel_loop3A_150 : i32 to index
        %parallel_loop3A_187 = arith.index_cast %parallel_loop3A_185 : i32 to index
        %parallel_loop3A_188 = tpu.vector_load %arg7[%parallel_loop3A_186, %parallel_loop3A_187] {strides = array<i32>} : memref<208x512xf32, #tpu.memory_space<vmem>>, vector<1x16xf32>,
        %parallel_loop3A_189 = vector.shape_cast %parallel_loop3A_188 : vector<1x16xf32> to vector<16xf32>
        %parallel_loop3A_190 = arith.index_cast %parallel_loop3A_145 : i32 to index
        %parallel_loop3A_191 = arith.index_cast %parallel_loop3A_185 : i32 to index
        %parallel_loop3A_192 = tpu.vector_load %arg11[%parallel_loop3A_190, %parallel_loop3A_191] {strides = array<i32>} : memref<8x512xf32, #tpu.memory_space<vmem>>, vector<1x16xf32>,
        %parallel_loop3A_193 = vector.shape_cast %parallel_loop3A_192 : vector<1x16xf32> to vector<16xf32>
        %parallel_loop3A_194 = vector.shape_cast %parallel_loop3A_189 : vector<16xf32> to vector<1x16xf32>
        tpu.vector_store %arg11[%parallel_loop3A_190, %parallel_loop3A_191], %parallel_loop3A_194 {add = true, strides = array<i32>} : memref<8x512xf32, #tpu.memory_space<vmem>>, vector<1x16xf32>,
      } {sc.loop_unroll_factor = 1 : i64, sc.parallel_access}
      %mul3A_136 = arith.constant 8 : i32
      %mul3A_137 = arith.muli %add3A_116, %mul3A_136 : i32
      %add3A_138 = arith.addi %mul3A_2, %mul3A_137 : i32
      %dma_start3A_139 = arith.constant 0 : i32
      %dma_start3A_140 = tpu.memref_slice %arg5[%add3A_138, %dma_start3A_139] : memref<204800x512xf32, #tpu.memory_space<hbm>> -> memref<8x512xf32, #tpu.memory_space<hbm>>
      %dma_start3A_141 = arith.constant 0 : i32
      %dma_start3A_142 = tpu.memref_slice %arg5[%add3A_138, %dma_start3A_141] : memref<204800x512xf32, #tpu.memory_space<hbm>> -> memref<8x512xf32, #tpu.memory_space<hbm>>
      tpu.enqueue_dma source(%arg11 : memref<8x512xf32, #tpu.memory_space<vmem>>) target(%dma_start3A_142 : memref<8x512xf32, #tpu.memory_space<hbm>>) target_semaphore(%arg19 : memref<!tpu.dma_semaphore, #tpu.memory_space<semaphore_mem>>)
    }
    %scan3A_15 = arith.constant 200 : i32
    %dma_wait3A = arith.constant 0 : i32
    %dma_wait3A_16 = tpu.memref_slice %arg5[%mul3A_2, %dma_wait3A] : memref<204800x512xf32, #tpu.memory_space<hbm>> -> memref<8x512xf32, #tpu.memory_space<hbm>>
    %dma_wait3A_17 = arith.constant 0 : i32
    %dma_wait3A_18 = tpu.memref_slice %arg5[%mul3A_2, %dma_wait3A_17] : memref<204800x512xf32, #tpu.memory_space<hbm>> -> memref<8x512xf32, #tpu.memory_space<hbm>>
    tpu.wait_dma2 semaphore(%arg16 : memref<!tpu.dma_semaphore, #tpu.memory_space<semaphore_mem>>) src(%arg8 : memref<8x512xf32, #tpu.memory_space<vmem>>) dst(%dma_wait3A_18 : memref<8x512xf32, #tpu.memory_space<hbm>>)
    %dma_wait3A_19 = arith.constant 0 : i32
    %dma_wait3A_20 = tpu.memref_slice %arg5[%mul3A_2, %dma_wait3A_19] : memref<204800x512xf32, #tpu.memory_space<hbm>> -> memref<8x512xf32, #tpu.memory_space<hbm>>
    %dma_wait3A_21 = arith.constant 0 : i32
    %dma_wait3A_22 = tpu.memref_slice %arg5[%mul3A_2, %dma_wait3A_21] : memref<204800x512xf32, #tpu.memory_space<hbm>> -> memref<8x512xf32, #tpu.memory_space<hbm>>
    tpu.wait_dma2 semaphore(%arg17 : memref<!tpu.dma_semaphore, #tpu.memory_space<semaphore_mem>>) src(%arg9 : memref<8x512xf32, #tpu.memory_space<vmem>>) dst(%dma_wait3A_22 : memref<8x512xf32, #tpu.memory_space<hbm>>)
    %dma_wait3A_23 = arith.constant 0 : i32
    %dma_wait3A_24 = tpu.memref_slice %arg5[%mul3A_2, %dma_wait3A_23] : memref<204800x512xf32, #tpu.memory_space<hbm>> -> memref<8x512xf32, #tpu.memory_space<hbm>>
    %dma_wait3A_25 = arith.constant 0 : i32
    %dma_wait3A_26 = tpu.memref_slice %arg5[%mul3A_2, %dma_wait3A_25] : memref<204800x512xf32, #tpu.memory_space<hbm>> -> memref<8x512xf32, #tpu.memory_space<hbm>>
    tpu.wait_dma2 semaphore(%arg18 : memref<!tpu.dma_semaphore, #tpu.memory_space<semaphore_mem>>) src(%arg10 : memref<8x512xf32, #tpu.memory_space<vmem>>) dst(%dma_wait3A_26 : memref<8x512xf32, #tpu.memory_space<hbm>>)
    %dma_wait3A_27 = arith.constant 0 : i32
    %dma_wait3A_28 = tpu.memref_slice %arg5[%mul3A_2, %dma_wait3A_27] : memref<204800x512xf32, #tpu.memory_space<hbm>> -> memref<8x512xf32, #tpu.memory_space<hbm>>
    %dma_wait3A_29 = arith.constant 0 : i32
    %dma_wait3A_30 = tpu.memref_slice %arg5[%mul3A_2, %dma_wait3A_29] : memref<204800x512xf32, #tpu.memory_space<hbm>> -> memref<8x512xf32, #tpu.memory_space<hbm>>
    tpu.wait_dma2 semaphore(%arg19 : memref<!tpu.dma_semaphore, #tpu.memory_space<semaphore_mem>>) src(%arg11 : memref<8x512xf32, #tpu.memory_space<vmem>>) dst(%dma_wait3A_30 : memref<8x512xf32, #tpu.memory_space<hbm>>)
    return
  }
}

</mosaic_0001>

<sc_bundles>
// kernel: kernel.3.cloned.1.call-start
scs
__scs_entry_jumppad:
0x0: {  	(pc) =	sbr.rel $0x88, $3  }
0x1: {  	(tag) =	ssettag $0x0;
	lr =	simm.s32 $0x1  }
0x2: {  	[smem:$0x3F9F] =	sst lr;
	_ =	strace $0xD0000000  }
0x3: {  	_ = 	snop  }
0x4: {  	_ = 	snop  }
0x5: {  	_ = 	snop  }
0x6: {  	_ = 	snop  }
0x7: {  	_ = 	snop  }
__scs_overlays_trampoline_lowered:
0x8: {  	[smem:$0x3FAE] =	sst s0  }
0x9: {  	[smem:$0x3FAF] =	sst s1  }
0xa: {  	[smem:$0x3FB0] =	sst s2  }
0xb: {  	[smem:$0x3FB1] =	sst s3  }
0xc: {  	[smem:$0x3FB2] =	sst s4  }
0xd: {  	[smem:$0x3FB3] =	sst s5  }
0xe: {  	[smem:$0x3FB4] =	sst s6  }
0xf: {  	[smem:$0x3FB5] =	sst s7  }
0x10: {  	[smem:$0x3FB6] =	sst s8  }
0x11: {  	[smem:$0x3FB7] =	sst s9;
	s0 =	simm.s32 @!p0 $0x0  }
0x12: {  	s1 =	sld [smem:$0x3F9D];
	s0 =	simm.s32 @p0 $0x1  }
0x13: {  	[smem:$0x3FB8] =	sst s0;
	s0 =	simm.s32 @!p1 $0x0  }
0x14: {  	s2 =	sld [smem:$0x3F9C];
	s0 =	simm.s32 @p1 $0x1  }
0x15: {  	[smem:$0x3FB9] =	sst s0;
	s0 =	simm.s32 @!p2 $0x0  }
0x16: {  	s3 =	sld [smem:$0x3FDB];
	s0 =	simm.s32 @p2 $0x1  }
0x17: {  	s4 =	simm.s32 $0x1BF5;
	[smem:$0x3FBB] =	sst s0  }
0x18: {  	s0 =	sld [smem:$0x3F9E];
	_ =	swait.ge [sflag:s4], $0x0  }
0x19: {  	s7 =	sld [smem:$0x3F9F]  }
0x1a: {  	s8 =	sadd.s32 $0xFFFFE003, lr  }
0x1b: {  	s9 =	sadd.s32 $0xFFFFFEF7, lr;
	s5 =	simm.s32 $0xFFFFFFFF;
	p2 =	slt.u32 s8, $0xFFFFF086  }
0x1c: {  	p1 =	slt.u32 s9, $0xF7A;
	s5 =	simm.s32 @!p2 $0x0  }
0x1d: {  	s5 =	simm.s32 @p1 $0x1;
	p0 =	seq.s32 s7, s2  }
0x1e: {  	s7 =	smul.u32 @!p0 $0xF7A, s2;
	p2 =	seq.s32 @!p0 s5, $0x0  }
0x1f: {  	s9 =	smul.u32 $0xF7A, s1;
	s8 =	simm.s32 @!p0 $0x1BF5;
	p2 =	por !p2, p0  }
0x20: {  	[sflag:s8] =	ssyncset.s32 @!p0 $0xFFFFF086;
	s6 =	sadd.s32 @!p0 s3, s7;
	s7 =	simm.s32 @!p0 $0x108  }
0x21: {  	s3 =	sadd.s32 s3, s9;
	s6 =	sadd.s32 @!p0 $0x88, s6;
	s7 =	simm.s32 @p2 $0x1082  }
0x22: {  	[simem:s7], [sflag:s8] =	dma.local @!p0 [hbm:s6], $0xF7A  }
0x23: {  	s9 =	sor.u32 $0xD0000000, s2;
	s6 =	simm.s32 $0x108;
	_ =	swait.ge @!p0 [sflag:s8], $0x0  }
0x24: {  	s3 =	sadd.s32 $0x88, s3;
	s6 =	simm.s32 @!p1 $0x1082;
	[sflag:s4] =	ssyncset.s32 $0xFFFFF086  }
0x25: {  	[simem:s6], [sflag:s4] =	dma.local [hbm:s3], $0xF7A  }
0x26: {  	[smem:$0x3F9F] =	sst s1;
	(tag) =	ssettag s2;
	_ =	strace s9  }
0x27: {  	s1 =	sld [smem:$0x3FAF]  }
0x28: {  	s2 =	sld [smem:$0x3FB0]  }
0x29: {  	s4 =	sld [smem:$0x3FB2]  }
0x2a: {  	p0 =	seq.s32 s5, $0x0;
	s5 =	sld [smem:$0x3FB3]  }
0x2b: {  	s6 =	sld [smem:$0x3FB4]  }
0x2c: {  	s7 =	sld [smem:$0x3FB5]  }
0x2d: {  	s3 =	simm.s32 $0x108;
	s8 =	sld [smem:$0x3FB6]  }
0x2e: {  	s3 =	simm.s32 @!p0 $0x1082;
	s9 =	sld [smem:$0x3FB7]  }
0x2f: {  	lr =	sadd.s32 s0, s3;
	s0 =	sld [smem:$0x3FAE]  }
0x30: {  	s3 =	sld [smem:$0x3FB1]  }
0x31: {  	[smem:$0x3FBA] =	sst s10  }
0x32: {  	s10 =	sld [smem:$0x3FB8];
	_ =	sdelay $0x3  }
0x33: {  	p0 =	seq.s32 s10, $0x1;
	s10 =	sld [smem:$0x3FBA];
	_ =	sdelay $0x3  }
0x34: {  	[smem:$0x3FBA] =	sst s10  }
0x35: {  	s10 =	sld [smem:$0x3FB9];
	_ =	sdelay $0x3  }
0x36: {  	p1 =	seq.s32 s10, $0x1;
	s10 =	sld [smem:$0x3FBA];
	_ =	sdelay $0x3  }
0x37: {  	[smem:$0x3FBA] =	sst s10  }
0x38: {  	s10 =	sld [smem:$0x3FBB]  }
0x39: {  	_ = 	snop;
	(pc) =	sbr.ind lr, $3  }
0x3a: {  	_ = 	snop  }
0x3b: {  	_ = 	snop  }
0x3c: {  	p2 =	seq.s32 s10, $0x1;
	s10 =	sld [smem:$0x3FBA]  }
0x3d: {  	_ =	shalt  }
0x3e: {  	_ =	shalt  }
0x3f: {  	_ =	shalt  }
0x40: {  	_ =	shalt  }
0x41: {  	_ =	shalt  }
0x42: {  	_ =	shalt  }
0x43: {  	_ =	shalt  }
0x44: {  	_ =	shalt  }
0x45: {  	_ =	shalt  }
0x46: {  	_ =	shalt  }
0x47: {  	_ =	shalt  }
0x48: {  	_ =	shalt  }
0x49: {  	_ =	shalt  }
0x4a: {  	_ =	shalt  }
0x4b: {  	_ =	shalt  }
0x4c: {  	_ =	shalt  }
0x4d: {  	_ =	shalt  }
0x4e: {  	_ =	shalt  }
0x4f: {  	_ =	shalt  }
0x50: {  	_ =	shalt  }
0x51: {  	_ =	shalt  }
0x52: {  	_ =	shalt  }
0x53: {  	_ =	shalt  }
0x54: {  	_ =	shalt  }
0x55: {  	_ =	shalt  }
0x56: {  	_ =	shalt  }
0x57: {  	_ =	shalt  }
0x58: {  	_ =	shalt  }
0x59: {  	_ =	shalt  }
0x5a: {  	_ =	shalt  }
0x5b: {  	_ =	shalt  }
0x5c: {  	_ =	shalt  }
0x5d: {  	_ =	shalt  }
0x5e: {  	_ =	shalt  }
0x5f: {  	_ =	shalt  }
0x60: {  	_ =	shalt  }
0x61: {  	_ =	shalt  }
0x62: {  	_ =	shalt  }
0x63: {  	_ =	shalt  }
0x64: {  	_ =	shalt  }
0x65: {  	_ =	shalt  }
0x66: {  	_ =	shalt  }
0x67: {  	_ =	shalt  }
0x68: {  	_ =	shalt  }
0x69: {  	_ =	shalt  }
0x6a: {  	_ =	shalt  }
0x6b: {  	_ =	shalt  }
0x6c: {  	_ =	shalt  }
0x6d: {  	_ =	shalt  }
0x6e: {  	_ =	shalt  }
0x6f: {  	_ =	shalt  }
0x70: {  	_ =	shalt  }
0x71: {  	_ =	shalt  }
0x72: {  	_ =	shalt  }
0x73: {  	_ =	shalt  }
0x74: {  	_ =	shalt  }
0x75: {  	_ =	shalt  }
0x76: {  	_ =	shalt  }
0x77: {  	_ =	shalt  }
0x78: {  	_ =	shalt  }
0x79: {  	_ =	shalt  }
0x7a: {  	_ =	shalt  }
0x7b: {  	_ =	shalt  }
0x7c: {  	_ =	shalt  }
0x7d: {  	_ =	shalt  }
0x7e: {  	_ =	shalt  }
0x7f: {  	_ =	shalt  }
0x80: {  	_ =	shalt  }
0x81: {  	_ =	shalt  }
0x82: {  	_ =	shalt  }
0x83: {  	_ =	shalt  }
0x84: {  	_ =	shalt  }
0x85: {  	_ =	shalt  }
0x86: {  	_ =	shalt  }
0x87: {  	_ =	shalt  }
.Lfunc_end0:
.L_simem_size_0:
called_computation_lowered:
.L_overlay_start_0:
0x88: {  	s2 =	sld [smem:$0x3FD9]  }
0x89: {  	s3 =	sld [smem:$0x3FFE];
	_ =	sdelay $0x1  }
0x8a: {  	s1 =	srdreg.scid  }
0x8b: {  	s0 =	sand.u32 $0x1, s1  }
0x8c: {  	s17 =	sshll.u32 s0, $0xA;
	s2 =	sadd.s32 s3, s2  }
0x8d: {  	s2 =	sadd.s32 s2, s17  }
0x8e: {  	[smem:$0x3FC6] =	sst s2  }
0x8f: {  	_ = 	snop  }
0x90: {  	s2 =	sld [smem:$0x3FC8]  }
0x91: {  	s18 =	sld [smem:$0x3FD0];
	(tm) =	ssettm $0x1  }
0x92: {  	s4 =	sld [smem:$0x3FFB];
	_ =	sdelay $0x3  }
0x93: {  	_ =	strace s4  }
0x94: {  	s4 =	sld [smem:$0x3FFC];
	_ =	sdelay $0x3  }
0x95: {  	_ =	strace s4  }
0x96: {  	s4 =	sld [smem:$0x3FFD];
	_ =	sdelay $0x3  }
0x97: {  	_ =	strace s4  }
0x98: {  	_ =	strace $0x8FFFFFFF  }
0x99: {  	s19 =	sld [smem:$0x3FDB];
	_ =	sdelay $0x1  }
0x9a: {  	s5 =	simm.s32 $_scs_section_size  }
0x9b: {  	s6 =	simm.s32 $_size__tile_overlayer_lowered;
	s7 =	simm.s32 $_tile_overlayer_lowered  }
0x9c: {  	s22 =	simm.s32 $0x1BFF;
	s21 =	sshll.u32 s7, $0x1;
	s4 =	sadd.s32 s5, s19  }
0x9d: {  	s8 =	simm.s32 $0x0;
	s20 =	sshll.u32 s6, $0x1;
	s6 =	sadd.s32 s21, s4  }
0x9e: {  	[timem:s8], [sflag:s22] =	dma.local [hbm:s6], s20  }
0x9f: {  	_ =	swait.ge [sflag:s22], s20  }
0xa0: {  	s5 =	ssub.s32 $0x0, s20;
	[sflag:s22] =	ssyncset.done $0x0  }
0xa1: {  	[sflag:s22] =	ssyncadd.s32 s5;
	_ =	sdelay $0x1  }
0xa2: {  	s23 =	simm.s32 $0x1B8B  }
0xa3: {  	_ =	swait.ge [sflag:s23], $0x1  }
0xa4: {  	[sflag:s23] =	ssyncset.done $0x0  }
0xa5: {  	s25 =	simm.s32 $0x1B8E;
	s24 =	sld [smem:$0x3FFE];
	[sflag:s23] =	ssyncadd.s32 $0xFFFFFFFF  }
0xa6: {  	s26 =	simm.s32 $execute0_lowered;
	[smem:$0x3FD2] =	sst s25  }
0xa7: {  	s6 =	sshll.u32 s26, $0x1;
	_ =	strace $0x80000046;
	[dreg:$0x1] =	wrdreg $0xFFFFFFFF  }
0xa8: {  	s28 =	simm.s32 $_size_execute0_lowered;
	s4 =	sadd.s32 s4, s6;
	[dreg:$0x0] =	wrdreg $0x0  }
0xa9: {  	s6 =	sshll.u32 s28, $0x1;
	[dreg:$0x2] =	wrdreg s4  }
0xaa: {  	[dreg:$0x3] =	wrdreg s6  }
0xab: {  	[dreg:$0x4] =	wrdreg $0xC0  }
0xac: {  	_ =	task [dreg:s8], $0x5FFFF  }
0xad: {  	[dreg:$0x1] =	wrdreg $0xFFFFFFFF  }
0xae: {  	[dreg:$0x0] =	wrdreg $0x60  }
0xaf: {  	[dreg:$0x2] =	wrdreg s2  }
0xb0: {  	[dreg:$0x3] =	wrdreg s24  }
0xb1: {  	[dreg:$0x4] =	wrdreg s18  }
0xb2: {  	[dreg:$0x5] =	wrdreg $0x9  }
0xb3: {  	_ =	task.clear_ibuf [dreg:s8], $0x6FFFF;
	_ =	strace $0x90000046  }
0xb4: {  	s29 =	simm.s32 $0x9;
	_ =	strace $0x80000048  }
0xb5: {  	_ =	swait.ge [sflag:s29], $0x1  }
0xb6: {  	[sflag:s29] =	ssyncadd.s32 $0xFFFFFFFF  }
0xb7: {  	_ =	strace $0x90000048  }
0xb8: {  	_ =	sfence  }
0xb9: {  	s30 =	sld [smem:$0x0];
	_ =	sdelay $0x2  }
0xba: {  	s31 =	sshll.u32 s1, $0xD;
	s1 =	sshrl.u32 s1, $0x2  }
0xbb: {  	s3 =	sand.u32 $0x4000, s31;
	s1 =	sadd.s32 s1, s30  }
0xbc: {  	s0 =	sor.u32 s3, s0;
	s1 =	sshll.u32 s1, $0x11  }
0xbd: {  	s0 =	sor.u32 s1, s0  }
0xbe: {  	s0 =	sadd.s32 $0x8F2B, s0  }
0xbf: {  	[sflag:s0] =	ssyncadd.remote.s32 $0x1  }
0xc0: {  	_ =	sfence.sel $0xFFFF  }
0xc1: {  	[dreg:$0x0] =	wrdreg $0xFFFFFFFF;
	(pc) =	sbr.abs _section_cstart, $3  }
0xc2: {  	[dreg:$0x1] =	wrdreg $0xFFFFFFFF  }
0xc3: {  	_ =	task.clear_ibuf [dreg:s8], $0x2FFFF;
	_ =	strace $0x9FFFFFFF  }
0xc4: {  	(tm) =	ssettm $0x7FFFFFFF  }
0xc5: {  	_ =	shalt  }
tec
execute0_lowered:
.L_overlay_start_1:
0x0: {  	(tag) =	ssettag $0x1  }
0x1: {  	s1 =	rddreg [dreg:$0x0]  }
0x2: {  	s0 =	srdreg.scid;
	s6 =	rddreg [dreg:$0x1]  }
0x3: {  	s2 =	stileid.u32;
	s3 =	rddreg [dreg:$0x2]  }
0x4: {  	s5 =	simm.s32 $0x0;
	s0 =	sand.u32 $0x1, s0;
	s2 =	sshll.u32 s2, $0x1  }
0x5: {  	s28 =	simm.s32 $0x1D900;
	s2 =	sor.u32 s0, s2;
	s0 =	ssub.s32 $0x2, s0  }
0x6: {  	s21 =	simm.s32 $0x2;
	s4 =	smul.u32 $0x1900, s2;
	s7 =	sshrl.u32 s0, $0x1  }
0x7: {  	s22 =	simm.s32 $0x3;
	[smem:$0x7FF] =	sst s5;
	s0 =	ssub.s32 s0, s7  }
0x8: {  	_ =	strace $0x80000047;
	s2 =	sshrl.u32 s4, $0x3;
	s0 =	smax.u32 s0, $0x1  }
0x9: {  	v0 =	vlaneseq.u32;
	s2 =	sadd.s32 s2, s6;
	s6 =	sadd.s32 $0x6800, s6;
	[dreg:$0x6] =	wrdreg s0  }
0xa: {  	s23 =	simm.s32 $0x4;
	v1 =	vshrl.u32 v0, $0x3;
	[dreg:$0x4] =	wrdreg s6;
	s2 =	sadd.s32 $0x400, s2  }
0xb: {  	vm0 =	vmmov $0xffff;
	s8 =	sadd.s32 $0x100, s1;
	v0 =	vand.u32 $0x7, v0;
	v1 =	vmul.u32 $0x8, v1;
	s6 =	simm.s32 $0x0;
	[dreg:$0x5] =	wrdreg s2  }
.LBB2_1:
0xc: {  	[dreg:$0x7] =	wrdreg s6  }
0xd: {  	s0 =	rddreg [dreg:$0x5];
	s2 =	simm.s32 $0x9  }
0xe: {  	[tilespmem:s5], [sflag:$0x9] =	stream.linear.gather [hbm4b:s0+s5], $0x1900, $0x38;
	[tilespmem:$0x1F900] =	vst v63  }
0xf: {  	_ =	swait.ge [sflag:s2], $0x1900  }
0x10: {  	[sflag:s2] =	ssyncset.done $0x0  }
0x11: {  	s24 =	simm.s32 $0x1900;
	s20 =	rddreg [dreg:$0x4];
	[sflag:s2] =	ssyncadd.s32 $0xFFFFE700  }
0x12: {  	[tilespmem:s24], [sflag:$0x9] =	stream.linear.gather [hbm4b:s20+s5], $0x1A000, $0x38;
	[tilespmem:$0x1F900] =	vst v63  }
0x13: {  	_ =	swait.ge [sflag:s2], $0x1A000  }
0x14: {  	[sflag:s2] =	ssyncset.done $0x0  }
0x15: {  	[sflag:s2] =	ssyncadd.s32 $0xFFFE6000  }
0x16: {  	v2 =	vld.msk [tilespmem:$0x0], $0xff;
	_ =	sdelay $0x4  }
0x17: {  	v3 =	vshll.u32 v2, $0x2  }
0x18: {  	v2 =	vand.u32 $0x7, v2;
	v3 =	vand.u32 $0xFFFFFFE0, v3  }
0x19: {  	v2 =	vor.u32 v2, v3  }
0x1a: {  	v2 =	vperm.xlane v2, v0;
	_ =	sdelay $0x1  }
0x1b: {  	v2 =	vadd.s32 v1, v2;
	_ =	sdelay $0x3  }
0x1c: {  	s25 =	simm.s32 $0x1B900  }
0x1d: {  	[tilespmem:s25], [sflag:$0x1] =	stream.indirect_vreg.gather [hbm4b:s1+s5], $0x80, v2, vm0, $0xb8;
	[tilespmem:$0x1F900] =	vst v63  }
0x1e: {  	s26 =	simm.s32 $0x1C100  }
0x1f: {  	[tilespmem:s26], [sflag:$0x1] =	stream.indirect_vreg.gather [hbm4b:s8+s5], $0x80, v2, vm0, $0xb8;
	[tilespmem:$0x1F900] =	vst v63  }
0x20: {  	v2 =	vld.msk [tilespmem:$0x8], $0xff;
	_ =	sdelay $0x4  }
0x21: {  	v3 =	vshll.u32 v2, $0x2  }
0x22: {  	v2 =	vand.u32 $0x7, v2;
	v3 =	vand.u32 $0xFFFFFFE0, v3  }
0x23: {  	v2 =	vor.u32 v2, v3  }
0x24: {  	v2 =	vperm.xlane v2, v0;
	_ =	sdelay $0x1  }
0x25: {  	v2 =	vadd.s32 v1, v2;
	_ =	sdelay $0x3  }
0x26: {  	s29 =	simm.s32 $0x1C900  }
0x27: {  	[tilespmem:s29], [sflag:$0x2] =	stream.indirect_vreg.gather [hbm4b:s1+s5], $0x80, v2, vm0, $0xb8;
	[tilespmem:$0x1F900] =	vst v63  }
0x28: {  	s31 =	simm.s32 $0x1D100;
	s30 =	simm.s32 $0x0  }
0x29: {  	[tilespmem:s31], [sflag:$0x2] =	stream.indirect_vreg.gather [hbm4b:s8+s5], $0x80, v2, vm0, $0xb8;
	[tilespmem:$0x1F900] =	vst v63  }
.LBB2_2:
0x2a: {  	p0 =	seq.s32 s30, $0x0  }
0x2b: {  	s0 =	sshll.u32 s30, $0x2;
	s6 =	simm.s32 @!p0 $0x7  }
0x2c: {  	s2 =	sor.u32 $0x2, s0;
	_ =	swait.ge @!p0 [sflag:s6], $0x1000  }
0x2d: {  	s2 =	sshll.u32 s2, $0x3;
	[sflag:s6] =	ssyncset.done @!p0 $0x0  }
0x2e: {  	s15 =	sand.u32 $0x3FFFFFF8, s2;
	[sflag:s6] =	ssyncadd.s32 @!p0 $0xFFFFF000  }
0x2f: {  	v2 =	vld.msk [tilespmem:s15+$0x0], $0xff;
	_ =	sdelay $0x4  }
0x30: {  	v3 =	vshll.u32 v2, $0x2  }
0x31: {  	v2 =	vand.u32 $0x7, v2;
	v3 =	vand.u32 $0xFFFFFFE0, v3  }
0x32: {  	s7 =	sand.u32 $0x1FFC, s0;
	v2 =	vor.u32 v2, v3  }
0x33: {  	s7 =	smul.u32 $0x147B, s7;
	v2 =	vperm.xlane v2, v0;
	_ =	sdelay $0x1  }
0x34: {  	s7 =	sshrl.u32 s7, $0x11;
	v2 =	vadd.s32 v1, v2  }
0x35: {  	s7 =	smul.u32 $0xC8, s7  }
0x36: {  	s11 =	sshll.u32 s30, $0x5  }
0x37: {  	s7 =	ssub.s32 s11, s7  }
0x38: {  	s16 =	simm.s32 $0x0;
	s7 =	sand.u32 $0xFFF8, s7  }
0x39: {  	[tilespmem:s28], [sflag:$0x3] =	stream.indirect_vreg.gather [hbm4b:s1+s16], $0x80, v2, vm0, $0xb8;
	[tilespmem:$0x1F900] =	vst v63  }
0x3a: {  	s9 =	simm.s32 $0x1E100;
	s7 =	sshll.u32 s7, $0x9  }
0x3b: {  	[tilespmem:s9], [sflag:$0x3] =	stream.indirect_vreg.gather [hbm4b:s8+s16], $0x80, v2, vm0, $0xb8;
	[tilespmem:$0x1F900] =	vst v63  }
0x3c: {  	s14 =	simm.s32 $0x1;
	s17 =	sand.u32 $0xC00, s16;
	s9 =	sadd.s32 $0x1900, s7  }
0x3d: {  	s10 =	sand.u32 $0x380, s16;
	_ =	swait.ge [sflag:s14], $0x1000;
	s12 =	sadd.s32 s17, s9  }
0x3e: {  	s15 =	sand.u32 $0x40, s16;
	[sflag:s14] =	ssyncset.done $0x0;
	s13 =	sadd.s32 s10, s12  }
0x3f: {  	[sflag:s14] =	ssyncadd.s32 $0xFFFFF000;
	s6 =	sadd.s32 s15, s13  }
0x40: {  	v2 =	vld [tilespmem:s6+$0x0];
	_ =	sdelay $0x1  }
0x41: {  	s18 =	simm.s32 $0x10;
	s7 =	sor.u32 s10, s17  }
0x42: {  	s19 =	simm.s32 $0x40;
	s20 =	simm.s32 $0x200;
	s31 =	sadd.s32 $0x1B900, s7  }
0x43: {  	s24 =	sor.u32 $0x10, s15;
	s12 =	sand.u32 $0xC00, s20;
	s7 =	sor.u32 s15, s31  }
0x44: {  	s16 =	sand.u32 $0x380, s18;
	s17 =	sadd.s32 s12, s9;
	s20 =	sadd.s32 s24, s13;
	[tilespmem:s7+$0x0] =	vst.add.f32.msk $0xffff, v2  }
0x45: {  	s6 =	sand.u32 $0x40, s19;
	s7 =	sadd.s32 s16, s17;
	v2 =	vld [tilespmem:s20+$0x0]  }
0x46: {  	s10 =	sadd.s32 s6, s7  }
0x47: {  	s25 =	simm.s32 $0x20;
	s26 =	sor.u32 $0x20, s15;
	v3 =	vld [tilespmem:s10+$0x0]  }
0x48: {  	s28 =	simm.s32 $0x80;
	s12 =	sor.u32 s16, s12;
	s14 =	sor.u32 s24, s31  }
0x49: {  	s24 =	sadd.s32 $0x1B900, s12;
	s12 =	simm.s32 $0x30;
	s10 =	simm.s32 $0x400  }
0x4a: {  	s18 =	sor.u32 s6, s24;
	s16 =	sadd.s32 s26, s13;
	s20 =	sand.u32 $0xC00, s10;
	[tilespmem:s14+$0x0] =	vst.add.f32.msk $0xffff, v2  }
0x4b: {  	s17 =	sand.u32 $0x380, s25;
	s19 =	sadd.s32 s20, s9;
	s14 =	sor.u32 $0x10, s6;
	v2 =	vld [tilespmem:s16+$0x0]  }
0x4c: {  	s25 =	sand.u32 $0x40, s28;
	s29 =	sadd.s32 s17, s19;
	[tilespmem:s18+$0x0] =	vst.add.f32.msk $0xffff, v3;
	s16 =	sadd.s32 s14, s7  }
.LBB2_3:
0x4d: {  	p1 =	sne.s32 s12, $0x3F0;
	s19 =	sadd.s32 s25, s29  }
0x4e: {  	v3 =	vld [tilespmem:s16+$0x0];
	s16 =	smov.u32 s31;
	s31 =	smov.u32 s24;
	s18 =	sor.u32 $0x30, s15  }
0x4f: {  	s15 =	smov.u32 s6;
	s6 =	smov.u32 s25;
	v4 =	vld [tilespmem:s19+$0x0];
	s19 =	sor.u32 s26, s16  }
0x50: {  	s28 =	sadd.s32 $0x40, s28;
	[tilespmem:s19+$0x0] =	vst.add.f32.msk $0xffff, v2;
	s19 =	sadd.s32 s18, s13;
	s13 =	smov.u32 s7  }
0x51: {  	s10 =	sadd.s32 $0x200, s10;
	s14 =	sor.u32 s14, s31;
	s7 =	smov.u32 s29;
	v5 =	vld [tilespmem:s19+$0x0]  }
.Ltmp0:
0x52: {  	s26 =	sor.u32 $0x20, s15;
	s19 =	sor.u32 s17, s20;
	(pc) =	sbr.rel @p1 .LBB2_3-.Ltmp0, $4  }
0x53: {  	s17 =	sand.u32 $0x380, s12;
	s24 =	sadd.s32 $0x1B900, s19;
	[tilespmem:s14+$0x0] =	vst.add.f32.msk $0xffff, v3;
	s14 =	sadd.s32 s26, s13  }
0x54: {  	s25 =	sand.u32 $0x40, s28;
	s20 =	sand.u32 $0xC00, s10;
	s19 =	sor.u32 s6, s24;
	v2 =	vld [tilespmem:s14+$0x0]  }
0x55: {  	s18 =	sor.u32 s18, s16;
	s29 =	sadd.s32 s20, s9;
	s14 =	sor.u32 $0x10, s6;
	[tilespmem:s19+$0x0] =	vst.add.f32.msk $0xffff, v4  }
0x56: {  	s12 =	sadd.s32 $0x10, s12;
	s29 =	sadd.s32 s17, s29;
	s16 =	sadd.s32 s14, s7;
	[tilespmem:s18+$0x0] =	vst.add.f32.msk $0xffff, v5  }
0x57: {  	s9 =	sadd.s32 s25, s29  }
0x58: {  	v3 =	vld [tilespmem:s9+$0x0];
	_ =	sdelay $0x1  }
0x59: {  	s17 =	sor.u32 s17, s20  }
0x5a: {  	s9 =	sadd.s32 $0x1B900, s17  }
0x5b: {  	v4 =	vld [tilespmem:s16+$0x0];
	s12 =	sor.u32 $0x10, s25;
	s10 =	sor.u32 s25, s9  }
0x5c: {  	s18 =	sadd.s32 s12, s29;
	[tilespmem:s10+$0x0] =	vst.add.f32.msk $0xffff, v3  }
0x5d: {  	v3 =	vld [tilespmem:s18+$0x0];
	_ =	sdelay $0x1  }
0x5e: {  	s19 =	sor.u32 s14, s24;
	s14 =	sor.u32 $0x20, s6  }
0x5f: {  	s20 =	sadd.s32 s14, s7;
	[tilespmem:s19+$0x0] =	vst.add.f32.msk $0xffff, v4  }
0x60: {  	s16 =	sor.u32 s12, s9;
	s12 =	sor.u32 $0x20, s25;
	v4 =	vld [tilespmem:s20+$0x0]  }
0x61: {  	s17 =	sadd.s32 s12, s29;
	[tilespmem:s16+$0x0] =	vst.add.f32.msk $0xffff, v3  }
0x62: {  	s15 =	sor.u32 $0x30, s15;
	s18 =	sor.u32 s26, s31;
	v3 =	vld [tilespmem:s17+$0x0]  }
0x63: {  	s19 =	sadd.s32 s15, s13;
	[tilespmem:s18+$0x0] =	vst.add.f32.msk $0xffff, v2  }
0x64: {  	s20 =	sor.u32 s14, s24;
	s26 =	sor.u32 $0x30, s6;
	v2 =	vld [tilespmem:s19+$0x0]  }
0x65: {  	s10 =	sadd.s32 s26, s7;
	[tilespmem:s20+$0x0] =	vst.add.f32.msk $0xffff, v4  }
0x66: {  	s12 =	sor.u32 s12, s9;
	s13 =	sor.u32 $0x30, s25;
	v4 =	vld [tilespmem:s10+$0x0]  }
0x67: {  	s14 =	sadd.s32 s13, s29;
	[tilespmem:s12+$0x0] =	vst.add.f32.msk $0xffff, v3  }
0x68: {  	v3 =	vld [tilespmem:s14+$0x0];
	_ =	sdelay $0x1  }
0x69: {  	s15 =	sor.u32 s15, s31  }
0x6a: {  	s6 =	sor.u32 s26, s24;
	s16 =	sadd.s32 s4, s11;
	[tilespmem:s15+$0x0] =	vst.add.f32.msk $0xffff, v2  }
0x6b: {  	s17 =	sor.u32 s13, s9;
	s7 =	sshll.u32 s16, $0x6;
	[tilespmem:s6+$0x0] =	vst.add.f32.msk $0xffff, v4  }
0x6c: {  	s19 =	simm.s32 $0x1B900;
	s18 =	sadd.s32 s3, s7;
	s6 =	simm.s32 @!p0 $0x8;
	[tilespmem:s17+$0x0] =	vst.add.f32.msk $0xffff, v3  }
0x6d: {  	[hbm4b:s18+s5] =	stream.linear.scatter [tilespmem:s19], [sflag:$0x5], $0x1000, $0x38;
	[tilespmem:$0x1F900] =	vst v63  }
0x6e: {  	s0 =	sor.u32 $0x3, s0;
	_ =	swait.ge @!p0 [sflag:s6], $0x1000  }
0x6f: {  	s31 =	sshll.u32 s0, $0x3;
	[sflag:s6] =	ssyncset.done @!p0 $0x0  }
0x70: {  	s0 =	sand.u32 $0x3FFFFFF8, s31;
	[sflag:s6] =	ssyncadd.s32 @!p0 $0xFFFFF000  }
0x71: {  	v2 =	vld.msk [tilespmem:s0+$0x0], $0xff;
	_ =	sdelay $0x4  }
0x72: {  	v3 =	vshll.u32 v2, $0x2  }
0x73: {  	v2 =	vand.u32 $0x7, v2;
	v3 =	vand.u32 $0xFFFFFFE0, v3  }
0x74: {  	s0 =	sor.u32 $0x8, s11;
	v2 =	vor.u32 v2, v3  }
0x75: {  	s24 =	smulhi.u32 $0x51EB851F, s0;
	v2 =	vperm.xlane v2, v0;
	_ =	sdelay $0x1  }
0x76: {  	s7 =	sshrl.u32 s24, $0x6;
	v2 =	vadd.s32 v1, v2  }
0x77: {  	s7 =	smul.u32 $0xC8, s7;
	_ =	sdelay $0x1  }
0x78: {  	s7 =	ssub.s32 s0, s7  }
0x79: {  	s25 =	simm.s32 $0x1E900;
	s20 =	simm.s32 $0x0;
	s7 =	sshll.u32 s7, $0x9  }
0x7a: {  	[tilespmem:s25], [sflag:$0x4] =	stream.indirect_vreg.gather [hbm4b:s1+s20], $0x80, v2, vm0, $0xb8;
	[tilespmem:$0x1F900] =	vst v63  }
0x7b: {  	s26 =	simm.s32 $0x1F100;
	s10 =	sand.u32 $0xC00, s20;
	s9 =	sadd.s32 $0x1900, s7  }
0x7c: {  	[tilespmem:s26], [sflag:$0x4] =	stream.indirect_vreg.gather [hbm4b:s8+s20], $0x80, v2, vm0, $0xb8;
	[tilespmem:$0x1F900] =	vst v63  }
0x7d: {  	s12 =	sand.u32 $0x380, s20;
	s14 =	sadd.s32 s10, s9;
	_ =	swait.ge [sflag:s21], $0x1000  }
0x7e: {  	s15 =	sand.u32 $0x40, s20;
	s13 =	sadd.s32 s12, s14;
	[sflag:s21] =	ssyncset.done $0x0  }
0x7f: {  	s6 =	sadd.s32 s15, s13;
	[sflag:s21] =	ssyncadd.s32 $0xFFFFF000  }
0x80: {  	v2 =	vld [tilespmem:s6+$0x0];
	_ =	sdelay $0x1  }
0x81: {  	s16 =	simm.s32 $0x10;
	s7 =	sor.u32 s12, s10  }
0x82: {  	s17 =	simm.s32 $0x40;
	s18 =	simm.s32 $0x200;
	s11 =	sadd.s32 $0x1C900, s7  }
0x83: {  	s19 =	sor.u32 $0x10, s15;
	s12 =	sand.u32 $0xC00, s18;
	s7 =	sor.u32 s15, s11  }
0x84: {  	s24 =	sadd.s32 s12, s9;
	s18 =	sadd.s32 s19, s13;
	s20 =	sand.u32 $0x380, s16;
	[tilespmem:s7+$0x0] =	vst.add.f32.msk $0xffff, v2  }
0x85: {  	s6 =	sand.u32 $0x40, s17;
	s7 =	sadd.s32 s20, s24;
	v2 =	vld [tilespmem:s18+$0x0]  }
0x86: {  	s10 =	sadd.s32 s6, s7  }
0x87: {  	s28 =	simm.s32 $0x80;
	s14 =	sor.u32 s19, s11;
	v3 =	vld [tilespmem:s10+$0x0]  }
0x88: {  	s25 =	simm.s32 $0x20;
	s26 =	sor.u32 $0x20, s15;
	s12 =	sor.u32 s20, s12  }
0x89: {  	s16 =	sadd.s32 s26, s13;
	s17 =	sand.u32 $0x380, s25;
	s10 =	simm.s32 $0x400  }
0x8a: {  	s25 =	sand.u32 $0x40, s28;
	s24 =	sadd.s32 $0x1C900, s12;
	s20 =	sand.u32 $0xC00, s10;
	[tilespmem:s14+$0x0] =	vst.add.f32.msk $0xffff, v2  }
0x8b: {  	s18 =	sor.u32 s6, s24;
	s19 =	sadd.s32 s20, s9;
	s14 =	sor.u32 $0x10, s6;
	v2 =	vld [tilespmem:s16+$0x0]  }
0x8c: {  	s12 =	simm.s32 $0x30;
	s29 =	sadd.s32 s17, s19;
	[tilespmem:s18+$0x0] =	vst.add.f32.msk $0xffff, v3;
	s16 =	sadd.s32 s14, s7  }
.LBB2_5:
0x8d: {  	p0 =	sne.s32 s12, $0x3F0;
	s18 =	sadd.s32 s25, s29  }
0x8e: {  	v3 =	vld [tilespmem:s16+$0x0];
	s16 =	smov.u32 s11;
	s11 =	smov.u32 s24;
	s19 =	sor.u32 $0x30, s15  }
0x8f: {  	s15 =	smov.u32 s6;
	s6 =	smov.u32 s25;
	v4 =	vld [tilespmem:s18+$0x0];
	s18 =	sor.u32 s26, s16  }
0x90: {  	s28 =	sadd.s32 $0x40, s28;
	[tilespmem:s18+$0x0] =	vst.add.f32.msk $0xffff, v2;
	s18 =	sadd.s32 s19, s13;
	s13 =	smov.u32 s7  }
0x91: {  	s10 =	sadd.s32 $0x200, s10;
	s14 =	sor.u32 s14, s11;
	s7 =	smov.u32 s29;
	v5 =	vld [tilespmem:s18+$0x0]  }
.Ltmp1:
0x92: {  	s26 =	sor.u32 $0x20, s15;
	s18 =	sor.u32 s17, s20;
	(pc) =	sbr.rel @p0 .LBB2_5-.Ltmp1, $4  }
0x93: {  	s17 =	sand.u32 $0x380, s12;
	s24 =	sadd.s32 $0x1C900, s18;
	[tilespmem:s14+$0x0] =	vst.add.f32.msk $0xffff, v3;
	s14 =	sadd.s32 s26, s13  }
0x94: {  	s25 =	sand.u32 $0x40, s28;
	s20 =	sand.u32 $0xC00, s10;
	s18 =	sor.u32 s6, s24;
	v2 =	vld [tilespmem:s14+$0x0]  }
0x95: {  	s29 =	sadd.s32 s20, s9;
	s14 =	sor.u32 $0x10, s6;
	[tilespmem:s18+$0x0] =	vst.add.f32.msk $0xffff, v4;
	s18 =	sor.u32 s19, s16  }
0x96: {  	s12 =	sadd.s32 $0x10, s12;
	s29 =	sadd.s32 s17, s29;
	s16 =	sadd.s32 s14, s7;
	[tilespmem:s18+$0x0] =	vst.add.f32.msk $0xffff, v5  }
0x97: {  	s9 =	sadd.s32 s25, s29  }
0x98: {  	v3 =	vld [tilespmem:s9+$0x0];
	_ =	sdelay $0x1  }
0x99: {  	s17 =	sor.u32 s17, s20  }
0x9a: {  	s9 =	sadd.s32 $0x1C900, s17  }
0x9b: {  	v4 =	vld [tilespmem:s16+$0x0];
	s12 =	sor.u32 $0x10, s25;
	s10 =	sor.u32 s25, s9  }
0x9c: {  	s18 =	sadd.s32 s12, s29;
	[tilespmem:s10+$0x0] =	vst.add.f32.msk $0xffff, v3  }
0x9d: {  	v3 =	vld [tilespmem:s18+$0x0];
	_ =	sdelay $0x1  }
0x9e: {  	s19 =	sor.u32 s14, s24;
	s14 =	sor.u32 $0x20, s6  }
0x9f: {  	s20 =	sadd.s32 s14, s7;
	[tilespmem:s19+$0x0] =	vst.add.f32.msk $0xffff, v4  }
0xa0: {  	s16 =	sor.u32 s12, s9;
	s12 =	sor.u32 $0x20, s25;
	v4 =	vld [tilespmem:s20+$0x0]  }
0xa1: {  	s17 =	sadd.s32 s12, s29;
	[tilespmem:s16+$0x0] =	vst.add.f32.msk $0xffff, v3  }
0xa2: {  	s15 =	sor.u32 $0x30, s15;
	s18 =	sor.u32 s26, s11;
	v3 =	vld [tilespmem:s17+$0x0]  }
0xa3: {  	s19 =	sadd.s32 s15, s13;
	[tilespmem:s18+$0x0] =	vst.add.f32.msk $0xffff, v2  }
0xa4: {  	s20 =	sor.u32 s14, s24;
	s26 =	sor.u32 $0x30, s6;
	v2 =	vld [tilespmem:s19+$0x0]  }
0xa5: {  	s10 =	sadd.s32 s26, s7;
	[tilespmem:s20+$0x0] =	vst.add.f32.msk $0xffff, v4  }
0xa6: {  	s13 =	sor.u32 s12, s9;
	s14 =	sor.u32 $0x30, s25;
	v4 =	vld [tilespmem:s10+$0x0]  }
0xa7: {  	s16 =	sadd.s32 s14, s29;
	[tilespmem:s13+$0x0] =	vst.add.f32.msk $0xffff, v3  }
0xa8: {  	v3 =	vld [tilespmem:s16+$0x0];
	_ =	sdelay $0x1  }
0xa9: {  	s17 =	sor.u32 s15, s11  }
0xaa: {  	s0 =	sadd.s32 s4, s0;
	s6 =	sor.u32 s26, s24;
	[tilespmem:s17+$0x0] =	vst.add.f32.msk $0xffff, v2  }
0xab: {  	s0 =	sshll.u32 s0, $0x6;
	s18 =	sor.u32 s14, s9;
	[tilespmem:s6+$0x0] =	vst.add.f32.msk $0xffff, v4  }
0xac: {  	p0 =	seq.s32 s30, $0xC7;
	s0 =	sadd.s32 s3, s0;
	s19 =	simm.s32 $0x1C900;
	[tilespmem:s18+$0x0] =	vst.add.f32.msk $0xffff, v3  }
0xad: {  	[hbm4b:s0+s5] =	stream.linear.scatter [tilespmem:s19], [sflag:$0x6], $0x1000, $0x38;
	[tilespmem:$0x1F900] =	vst v63  }
0xae: {  	s0 =	simm.s32 @!p0 $0x5  }
0xaf: {  	_ =	swait.ge @!p0 [sflag:s0], $0x1000  }
0xb0: {  	s6 =	sshll.u32 @!p0 s30, $0x5;
	[sflag:s0] =	ssyncset.done @!p0 $0x0  }
0xb1: {  	[sflag:s0] =	ssyncadd.s32 @!p0 $0xFFFFF000;
	s0 =	sand.u32 @!p0 $0x3FFFFFE0, s6  }
0xb2: {  	v2 =	vld.msk @!p0 [tilespmem:s0+$0x20], $0xff;
	_ =	sdelay $0x4  }
0xb3: {  	v3 =	vshll.u32 @!p0 v2, $0x2  }
0xb4: {  	v4 =	vlaneseq.u32 @!p0;
	v2 =	vand.u32 @!p0 $0x7, v2;
	v3 =	vand.u32 @!p0 $0xFFFFFFE0, v3  }
0xb5: {  	v2 =	vor.u32 @!p0 v2, v3;
	v3 =	vand.u32 @!p0 $0x7, v4;
	v4 =	vshrl.u32 @!p0 v4, $0x3  }
0xb6: {  	v2 =	vperm.xlane @!p0 v2, v3;
	v3 =	vmul.u32 @!p0 $0x8, v4;
	_ =	sdelay $0x1  }
0xb7: {  	v2 =	vadd.s32 @!p0 v3, v2;
	_ =	sdelay $0x1  }
0xb8: {  	s20 =	smulhi.u32 $0x51EB851F, s2;
	_ =	sdelay $0x1  }
0xb9: {  	vm1 =	vmmov @!p0 $0xffff;
	s7 =	simm.s32 @!p0 $0x1B900;
	s24 =	sshrl.u32 s20, $0x6;
	s6 =	simm.s32 @!p0 $0x0  }
0xba: {  	[tilespmem:s7], [sflag:$0x1] =	stream.indirect_vreg.gather @!p0 [hbm4b:s1+s6], $0x80, v2, vm1, $0xb8;
	[tilespmem:$0x1F900] =	vst v63  }
0xbb: {  	s9 =	simm.s32 @!p0 $0x1C100;
	s7 =	smul.u32 $0xC8, s24  }
0xbc: {  	[tilespmem:s9], [sflag:$0x1] =	stream.indirect_vreg.gather @!p0 [hbm4b:s8+s6], $0x80, v2, vm1, $0xb8;
	[tilespmem:$0x1F900] =	vst v63  }
0xbd: {  	s25 =	ssub.s32 s2, s7  }
0xbe: {  	s26 =	simm.s32 $0x0;
	s6 =	sshll.u32 s25, $0x9  }
0xbf: {  	s10 =	sand.u32 $0xC00, s26;
	s9 =	sadd.s32 $0x1900, s6  }
0xc0: {  	s12 =	sand.u32 $0x380, s26;
	_ =	swait.ge [sflag:s22], $0x1000;
	s13 =	sadd.s32 s10, s9  }
0xc1: {  	s15 =	sand.u32 $0x40, s26;
	[sflag:s22] =	ssyncset.done $0x0;
	s13 =	sadd.s32 s12, s13  }
0xc2: {  	[sflag:s22] =	ssyncadd.s32 $0xFFFFF000;
	s7 =	sadd.s32 s15, s13  }
0xc3: {  	v2 =	vld [tilespmem:s7+$0x0];
	_ =	sdelay $0x1  }
0xc4: {  	s14 =	simm.s32 $0x10;
	s6 =	sor.u32 s12, s10  }
0xc5: {  	s17 =	simm.s32 $0x200;
	s16 =	simm.s32 $0x40;
	s11 =	sadd.s32 $0x1D900, s6  }
0xc6: {  	s18 =	sor.u32 $0x10, s15;
	s12 =	sand.u32 $0xC00, s17;
	s6 =	sor.u32 s15, s11  }
0xc7: {  	s19 =	sand.u32 $0x380, s14;
	s20 =	sadd.s32 s12, s9;
	s24 =	sadd.s32 s18, s13;
	[tilespmem:s6+$0x0] =	vst.add.f32.msk $0xffff, v2  }
0xc8: {  	s7 =	sadd.s32 s19, s20;
	s6 =	sand.u32 $0x40, s16;
	v2 =	vld [tilespmem:s24+$0x0]  }
0xc9: {  	s10 =	sadd.s32 s6, s7  }
0xca: {  	s28 =	simm.s32 $0x80;
	s25 =	simm.s32 $0x20;
	v3 =	vld [tilespmem:s10+$0x0]  }
0xcb: {  	s26 =	sor.u32 $0x20, s15;
	s14 =	sor.u32 s18, s11;
	s17 =	sand.u32 $0x380, s25  }
0xcc: {  	s25 =	sand.u32 $0x40, s28;
	s12 =	sor.u32 s19, s12;
	s10 =	simm.s32 $0x400  }
0xcd: {  	s16 =	sadd.s32 s26, s13;
	s24 =	sadd.s32 $0x1D900, s12;
	s20 =	sand.u32 $0xC00, s10;
	[tilespmem:s14+$0x0] =	vst.add.f32.msk $0xffff, v2  }
0xce: {  	s18 =	sor.u32 s6, s24;
	s19 =	sadd.s32 s20, s9;
	s14 =	sor.u32 $0x10, s6;
	v2 =	vld [tilespmem:s16+$0x0]  }
0xcf: {  	s12 =	simm.s32 $0x30;
	s29 =	sadd.s32 s17, s19;
	[tilespmem:s18+$0x0] =	vst.add.f32.msk $0xffff, v3;
	s16 =	sadd.s32 s14, s7  }
.LBB2_7:
0xd0: {  	p1 =	sne.s32 s12, $0x3F0;
	s18 =	sadd.s32 s25, s29  }
0xd1: {  	v3 =	vld [tilespmem:s16+$0x0];
	s16 =	smov.u32 s11;
	s11 =	smov.u32 s24;
	s19 =	sor.u32 $0x30, s15  }
0xd2: {  	s15 =	smov.u32 s6;
	s6 =	smov.u32 s25;
	v4 =	vld [tilespmem:s18+$0x0];
	s18 =	sor.u32 s26, s16  }
0xd3: {  	s28 =	sadd.s32 $0x40, s28;
	[tilespmem:s18+$0x0] =	vst.add.f32.msk $0xffff, v2;
	s18 =	sadd.s32 s19, s13;
	s13 =	smov.u32 s7  }
0xd4: {  	s10 =	sadd.s32 $0x200, s10;
	s14 =	sor.u32 s14, s11;
	s7 =	smov.u32 s29;
	v5 =	vld [tilespmem:s18+$0x0]  }
.Ltmp2:
0xd5: {  	s26 =	sor.u32 $0x20, s15;
	s18 =	sor.u32 s17, s20;
	(pc) =	sbr.rel @p1 .LBB2_7-.Ltmp2, $4  }
0xd6: {  	s17 =	sand.u32 $0x380, s12;
	s24 =	sadd.s32 $0x1D900, s18;
	[tilespmem:s14+$0x0] =	vst.add.f32.msk $0xffff, v3;
	s14 =	sadd.s32 s26, s13  }
0xd7: {  	s25 =	sand.u32 $0x40, s28;
	s20 =	sand.u32 $0xC00, s10;
	s18 =	sor.u32 s6, s24;
	v2 =	vld [tilespmem:s14+$0x0]  }
0xd8: {  	s29 =	sadd.s32 s20, s9;
	s14 =	sor.u32 $0x10, s6;
	[tilespmem:s18+$0x0] =	vst.add.f32.msk $0xffff, v4;
	s18 =	sor.u32 s19, s16  }
0xd9: {  	s12 =	sadd.s32 $0x10, s12;
	s29 =	sadd.s32 s17, s29;
	s16 =	sadd.s32 s14, s7;
	[tilespmem:s18+$0x0] =	vst.add.f32.msk $0xffff, v5  }
0xda: {  	s9 =	sadd.s32 s25, s29  }
0xdb: {  	v3 =	vld [tilespmem:s9+$0x0];
	_ =	sdelay $0x1  }
0xdc: {  	s19 =	sor.u32 s17, s20  }
0xdd: {  	s9 =	sadd.s32 $0x1D900, s19  }
0xde: {  	v4 =	vld [tilespmem:s16+$0x0];
	s12 =	sor.u32 $0x10, s25;
	s10 =	sor.u32 s25, s9  }
0xdf: {  	s20 =	sadd.s32 s12, s29;
	[tilespmem:s10+$0x0] =	vst.add.f32.msk $0xffff, v3  }
0xe0: {  	v3 =	vld [tilespmem:s20+$0x0];
	_ =	sdelay $0x1  }
0xe1: {  	s16 =	sor.u32 s14, s24;
	s17 =	sor.u32 $0x20, s6  }
0xe2: {  	s18 =	sadd.s32 s17, s7;
	[tilespmem:s16+$0x0] =	vst.add.f32.msk $0xffff, v4  }
0xe3: {  	s19 =	sor.u32 s12, s9;
	s12 =	sor.u32 $0x20, s25;
	v4 =	vld [tilespmem:s18+$0x0]  }
0xe4: {  	s20 =	sadd.s32 s12, s29;
	[tilespmem:s19+$0x0] =	vst.add.f32.msk $0xffff, v3  }
0xe5: {  	s26 =	sor.u32 s26, s11;
	s15 =	sor.u32 $0x30, s15;
	v3 =	vld [tilespmem:s20+$0x0]  }
0xe6: {  	[tilespmem:s26+$0x0] =	vst.add.f32.msk $0xffff, v2;
	s16 =	sadd.s32 s15, s13  }
0xe7: {  	s17 =	sor.u32 s17, s24;
	v2 =	vld [tilespmem:s16+$0x0];
	s18 =	sor.u32 $0x30, s6  }
0xe8: {  	[tilespmem:s17+$0x0] =	vst.add.f32.msk $0xffff, v4;
	s19 =	sadd.s32 s18, s7  }
0xe9: {  	s25 =	sor.u32 $0x30, s25;
	v4 =	vld [tilespmem:s19+$0x0];
	s20 =	sor.u32 s12, s9  }
0xea: {  	s26 =	sadd.s32 s25, s29;
	[tilespmem:s20+$0x0] =	vst.add.f32.msk $0xffff, v3  }
0xeb: {  	v3 =	vld [tilespmem:s26+$0x0];
	_ =	sdelay $0x1  }
0xec: {  	s29 =	sor.u32 s15, s11  }
0xed: {  	s2 =	sadd.s32 s4, s2;
	s6 =	sor.u32 s18, s24;
	[tilespmem:s29+$0x0] =	vst.add.f32.msk $0xffff, v2  }
0xee: {  	s2 =	sshll.u32 s2, $0x6;
	s7 =	sor.u32 s25, s9;
	[tilespmem:s6+$0x0] =	vst.add.f32.msk $0xffff, v4  }
0xef: {  	s28 =	simm.s32 $0x1D900;
	s2 =	sadd.s32 s3, s2;
	[tilespmem:s7+$0x0] =	vst.add.f32.msk $0xffff, v3  }
0xf0: {  	[hbm4b:s2+s5] =	stream.linear.scatter [tilespmem:s28], [sflag:$0x7], $0x1000, $0x38;
	[tilespmem:$0x1F900] =	vst v63  }
0xf1: {  	s2 =	simm.s32 @!p0 $0x6  }
0xf2: {  	_ =	swait.ge @!p0 [sflag:s2], $0x1000  }
0xf3: {  	[sflag:s2] =	ssyncset.done @!p0 $0x0  }
0xf4: {  	[sflag:s2] =	ssyncadd.s32 @!p0 $0xFFFFF000  }
0xf5: {  	v2 =	vld.msk @!p0 [tilespmem:s0+$0x28], $0xff;
	_ =	sdelay $0x4  }
0xf6: {  	v3 =	vshll.u32 @!p0 v2, $0x2  }
0xf7: {  	v4 =	vlaneseq.u32 @!p0;
	v2 =	vand.u32 @!p0 $0x7, v2;
	v3 =	vand.u32 @!p0 $0xFFFFFFE0, v3  }
0xf8: {  	v2 =	vor.u32 @!p0 v2, v3;
	v3 =	vand.u32 @!p0 $0x7, v4;
	v4 =	vshrl.u32 @!p0 v4, $0x3  }
0xf9: {  	v2 =	vperm.xlane @!p0 v2, v3;
	v3 =	vmul.u32 @!p0 $0x8, v4;
	_ =	sdelay $0x1  }
0xfa: {  	v2 =	vadd.s32 @!p0 v3, v2;
	_ =	sdelay $0x1  }
0xfb: {  	s9 =	smulhi.u32 $0x51EB851F, s31;
	_ =	sdelay $0x1  }
0xfc: {  	s10 =	sshrl.u32 s9, $0x6;
	s2 =	simm.s32 @!p0 $0x1C900;
	s0 =	simm.s32 @!p0 $0x0  }
0xfd: {  	[tilespmem:s2], [sflag:$0x2] =	stream.indirect_vreg.gather @!p0 [hbm4b:s1+s0], $0x80, v2, vm1, $0xb8;
	[tilespmem:$0x1F900] =	vst v63  }
0xfe: {  	s6 =	simm.s32 @!p0 $0x1D100;
	s2 =	smul.u32 $0xC8, s10  }
0xff: {  	[tilespmem:s6], [sflag:$0x2] =	stream.indirect_vreg.gather @!p0 [hbm4b:s8+s0], $0x80, v2, vm1, $0xb8;
	[tilespmem:$0x1F900] =	vst v63  }
0x100: {  	s11 =	ssub.s32 s31, s2  }
0x101: {  	s12 =	simm.s32 $0x0;
	s0 =	sshll.u32 s11, $0x9  }
0x102: {  	s13 =	sand.u32 $0xC00, s12;
	s9 =	sadd.s32 $0x1900, s0  }
0x103: {  	s14 =	sand.u32 $0x380, s12;
	_ =	swait.ge [sflag:s23], $0x1000;
	s15 =	sadd.s32 s13, s9  }
0x104: {  	s11 =	sand.u32 $0x40, s12;
	[sflag:s23] =	ssyncset.done $0x0;
	s2 =	sadd.s32 s14, s15  }
0x105: {  	[sflag:s23] =	ssyncadd.s32 $0xFFFFF000;
	s7 =	sadd.s32 s11, s2  }
0x106: {  	v2 =	vld [tilespmem:s7+$0x0];
	_ =	sdelay $0x1  }
0x107: {  	s16 =	simm.s32 $0x10;
	s0 =	sor.u32 s14, s13  }
0x108: {  	s17 =	simm.s32 $0x40;
	s18 =	simm.s32 $0x200;
	s0 =	sadd.s32 $0x1E900, s0  }
0x109: {  	s19 =	sand.u32 $0xC00, s18;
	s24 =	sor.u32 $0x10, s11;
	s20 =	sor.u32 s11, s0  }
0x10a: {  	s26 =	sand.u32 $0x380, s16;
	s29 =	sadd.s32 s19, s9;
	s15 =	sadd.s32 s24, s2;
	[tilespmem:s20+$0x0] =	vst.add.f32.msk $0xffff, v2  }
0x10b: {  	s6 =	sand.u32 $0x40, s17;
	s7 =	sadd.s32 s26, s29;
	v2 =	vld [tilespmem:s15+$0x0]  }
0x10c: {  	s16 =	sadd.s32 s6, s7  }
0x10d: {  	s25 =	simm.s32 $0x80;
	s17 =	simm.s32 $0x20;
	v3 =	vld [tilespmem:s16+$0x0]  }
0x10e: {  	s10 =	simm.s32 $0x400;
	s12 =	sor.u32 s26, s19;
	s17 =	sand.u32 $0x380, s17  }
0x10f: {  	s13 =	sadd.s32 $0x1E900, s12;
	s18 =	sor.u32 s24, s0;
	s24 =	sor.u32 $0x20, s11  }
0x110: {  	s12 =	simm.s32 $0x30;
	s19 =	sadd.s32 s24, s2;
	s20 =	sand.u32 $0xC00, s10;
	[tilespmem:s18+$0x0] =	vst.add.f32.msk $0xffff, v2  }
0x111: {  	s14 =	sor.u32 $0x10, s6;
	s26 =	sor.u32 s6, s13;
	s29 =	sadd.s32 s20, s9;
	v2 =	vld [tilespmem:s19+$0x0]  }
0x112: {  	s16 =	sadd.s32 s14, s7;
	s15 =	sand.u32 $0x40, s25;
	[tilespmem:s26+$0x0] =	vst.add.f32.msk $0xffff, v3;
	s26 =	sadd.s32 s17, s29  }
.LBB2_9:
0x113: {  	p0 =	sne.s32 s12, $0x3F0;
	s18 =	sadd.s32 s15, s26  }
0x114: {  	v3 =	vld [tilespmem:s16+$0x0];
	s16 =	smov.u32 s0;
	s0 =	smov.u32 s13;
	s25 =	sadd.s32 $0x40, s25  }
0x115: {  	v4 =	vld [tilespmem:s18+$0x0];
	s13 =	sor.u32 s24, s16;
	s18 =	sor.u32 $0x30, s11;
	s11 =	smov.u32 s6  }
0x116: {  	s6 =	smov.u32 s15;
	[tilespmem:s13+$0x0] =	vst.add.f32.msk $0xffff, v2;
	s13 =	sadd.s32 s18, s2;
	s2 =	smov.u32 s7  }
0x117: {  	s10 =	sadd.s32 $0x200, s10;
	s14 =	sor.u32 s14, s0;
	s7 =	smov.u32 s26;
	v5 =	vld [tilespmem:s13+$0x0]  }
.Ltmp3:
0x118: {  	s24 =	sor.u32 $0x20, s11;
	s13 =	sor.u32 s17, s20;
	(pc) =	sbr.rel @p0 .LBB2_9-.Ltmp3, $4  }
0x119: {  	s17 =	sand.u32 $0x380, s12;
	s13 =	sadd.s32 $0x1E900, s13;
	[tilespmem:s14+$0x0] =	vst.add.f32.msk $0xffff, v3;
	s14 =	sadd.s32 s24, s2  }
0x11a: {  	s15 =	sand.u32 $0x40, s25;
	s20 =	sand.u32 $0xC00, s10;
	s19 =	sor.u32 s6, s13;
	v2 =	vld [tilespmem:s14+$0x0]  }
0x11b: {  	s18 =	sor.u32 s18, s16;
	s26 =	sadd.s32 s20, s9;
	s14 =	sor.u32 $0x10, s6;
	[tilespmem:s19+$0x0] =	vst.add.f32.msk $0xffff, v4  }
0x11c: {  	s12 =	sadd.s32 $0x10, s12;
	s26 =	sadd.s32 s17, s26;
	s16 =	sadd.s32 s14, s7;
	[tilespmem:s18+$0x0] =	vst.add.f32.msk $0xffff, v5  }
0x11d: {  	s9 =	sadd.s32 s15, s26  }
0x11e: {  	v3 =	vld [tilespmem:s9+$0x0];
	_ =	sdelay $0x1  }
0x11f: {  	s25 =	sor.u32 s17, s20  }
0x120: {  	s9 =	sadd.s32 $0x1E900, s25  }
0x121: {  	v4 =	vld [tilespmem:s16+$0x0];
	s12 =	sor.u32 $0x10, s15;
	s10 =	sor.u32 s15, s9  }
0x122: {  	s29 =	sadd.s32 s12, s26;
	[tilespmem:s10+$0x0] =	vst.add.f32.msk $0xffff, v3  }
0x123: {  	v3 =	vld [tilespmem:s29+$0x0];
	_ =	sdelay $0x1  }
0x124: {  	s16 =	sor.u32 s14, s13;
	s17 =	sor.u32 $0x20, s6  }
0x125: {  	s18 =	sadd.s32 s17, s7;
	[tilespmem:s16+$0x0] =	vst.add.f32.msk $0xffff, v4  }
0x126: {  	s20 =	sor.u32 $0x20, s15;
	s19 =	sor.u32 s12, s9;
	v4 =	vld [tilespmem:s18+$0x0]  }
0x127: {  	s25 =	sadd.s32 s20, s26;
	[tilespmem:s19+$0x0] =	vst.add.f32.msk $0xffff, v3  }
0x128: {  	s11 =	sor.u32 $0x30, s11;
	s29 =	sor.u32 s24, s0;
	v3 =	vld [tilespmem:s25+$0x0]  }
0x129: {  	s2 =	sadd.s32 s11, s2;
	[tilespmem:s29+$0x0] =	vst.add.f32.msk $0xffff, v2  }
0x12a: {  	s14 =	sor.u32 $0x30, s6;
	s10 =	sor.u32 s17, s13;
	v2 =	vld [tilespmem:s2+$0x0]  }
0x12b: {  	s16 =	sadd.s32 s14, s7;
	[tilespmem:s10+$0x0] =	vst.add.f32.msk $0xffff, v4  }
0x12c: {  	s17 =	sor.u32 s20, s9;
	s18 =	sor.u32 $0x30, s15;
	v4 =	vld [tilespmem:s16+$0x0]  }
0x12d: {  	s19 =	sadd.s32 s18, s26;
	[tilespmem:s17+$0x0] =	vst.add.f32.msk $0xffff, v3  }
0x12e: {  	s30 =	sadd.s32 $0x1, s30;
	v3 =	vld [tilespmem:s19+$0x0]  }
0x12f: {  	p0 =	sne.s32 s30, $0xC8  }
.Ltmp4:
0x130: {  	s20 =	sor.u32 s11, s0;
	(pc) =	sbr.rel @p0 .LBB2_2-.Ltmp4, $4  }
0x131: {  	s24 =	sor.u32 s14, s13;
	s25 =	sadd.s32 s4, s31;
	[tilespmem:s20+$0x0] =	vst.add.f32.msk $0xffff, v2  }
0x132: {  	s26 =	sor.u32 s18, s9;
	s2 =	sshll.u32 s25, $0x6;
	[tilespmem:s24+$0x0] =	vst.add.f32.msk $0xffff, v4  }
0x133: {  	s31 =	simm.s32 $0x1E900;
	s29 =	sadd.s32 s3, s2;
	[tilespmem:s26+$0x0] =	vst.add.f32.msk $0xffff, v3  }
0x134: {  	[hbm4b:s29+s5] =	stream.linear.scatter [tilespmem:s31], [sflag:$0x8], $0x1000, $0x38;
	[tilespmem:$0x1F900] =	vst v63  }
0x135: {  	s0 =	simm.s32 $0x5  }
0x136: {  	_ =	swait.ge [sflag:s0], $0x1000  }
0x137: {  	[sflag:s0] =	ssyncset.done $0x0  }
0x138: {  	s29 =	simm.s32 $0x6;
	[sflag:s0] =	ssyncadd.s32 $0xFFFFF000  }
0x139: {  	_ =	swait.ge [sflag:s29], $0x1000  }
0x13a: {  	[sflag:s29] =	ssyncset.done $0x0  }
0x13b: {  	s30 =	simm.s32 $0x7;
	[sflag:s29] =	ssyncadd.s32 $0xFFFFF000  }
0x13c: {  	_ =	swait.ge [sflag:s30], $0x1000  }
0x13d: {  	[sflag:s30] =	ssyncset.done $0x0  }
0x13e: {  	s2 =	simm.s32 $0x8;
	[sflag:s30] =	ssyncadd.s32 $0xFFFFF000  }
0x13f: {  	_ =	swait.ge [sflag:s2], $0x1000  }
0x140: {  	s6 =	rddreg [dreg:$0x7]  }
0x141: {  	s31 =	rddreg [dreg:$0x6];
	s6 =	sadd.s32 $0x1, s6  }
0x142: {  	p0 =	sne.s32 s6, s31  }
.Ltmp5:
0x143: {  	_ = 	snop;
	(pc) =	sbr.rel @p0 .LBB2_1-.Ltmp5, $3  }
0x144: {  	_ =	sdelay $0x1  }
0x145: {  	[sflag:s2] =	ssyncset.done $0x0  }
0x146: {  	[sflag:s2] =	ssyncadd.s32 $0xFFFFF000  }
0x147: {  	_ =	sfence.sel $0x180000  }
0x148: {  	[bflag:$0x0] =	sbarrier.arrive $0xFFFF  }
0x149: {  	_ =	strace $0x90000047  }
0x14a: {  	s0 =	stileid.u32;
	[bflag:$0x2] =	sbarrier.arrive $0xFFFF  }
0x14b: {  	p0 =	sne.s32 s0, $0x0;
	s0 =	rddreg [dreg:$0x3]  }
0x14c: {  	s0 =	sadd.s32 @!p0 $0x100000, s0  }
0x14d: {  	[sflag:s0] =	ssyncadd.tile.s32 @!p0 $0x1;
	_ =	shalt  }
.Lfunc_end2:
_tile_overlayer_lowered:
.L_overlay_start_2:
0x14e: {  	(tag) =	ssettag $0x2  }
0x14f: {  	s0 =	rddreg [dreg:$0x0];
	s2 =	stileid.u32  }
0x150: {  	s1 =	rddreg [dreg:$0x1];
	p0 =	sne.s32 s2, $0x0  }
0x151: {  	s3 =	rddreg [dreg:$0x2];
	[bflag:$0x3] =	sbarrier.arrive $0xFFFF;
	s2 =	simm.s32 @!p0 $0x1C09  }
0x152: {  	[timem:s3], [sflag:s2] =	dma.local @!p0 [hbm:s0], s1  }
0x153: {  	s0 =	simm.s32 @!p0 $0x9  }
0x154: {  	_ =	swait.ge @!p0 [sflag:s0], s1  }
0x155: {  	s1 =	ssub.s32 @!p0 $0x0, s1;
	[sflag:s0] =	ssyncset.done @!p0 $0x0  }
0x156: {  	[sflag:s0] =	ssyncadd.s32 @!p0 s1  }
0x157: {  	[bflag:$0x3] =	sbarrier.arrive $0xFFFF  }
0x158: {  	_ =	shalt  }

</sc_bundles>
